<compile_context>
chip_gen: v7x
topology: tpu7x:2x2x1
jax: 0.10.2.dev20260603
libtpu: 0.0.44.dev20260713+nightly
codegen_flags: <defaults>
</compile_context>

<pallas_src>
import functools

import jax
import jax.numpy as jnp
import numpy as np
from jax import lax
from jax.experimental import pallas as pl
from jax.experimental.pallas import tpu as pltpu
from jax.experimental.pallas import tpu_sc as plsc

B = 16
K = 16
H = 128
NGDF = 16
EPS = 1e-5


_SIG_D = np.float32(8.0 / NGDF)
_SIG_A = np.float32(2.0 / NGDF)


def _mu_row(d_min, d_max):
    step = (d_max - d_min) / (NGDF - 1)
    i = jax.lax.broadcasted_iota(jnp.int32, (1, NGDF), 1).astype(jnp.float32)
    return d_min + i * step


def _enc_body(geo_ref, out_ref):
    geo = geo_ref[...]
    dist = geo[:, 0:1]
    ang = geo[:, 1:2]
    mu_d = _mu_row(0.0, 8.0)
    mu_a = _mu_row(-1.0, 1.0)
    enc_d = jnp.exp(-(((dist - mu_d) / _SIG_D) ** 2))
    enc_a = jnp.exp(-(((ang - mu_a) / _SIG_A) ** 2))
    out_ref[...] = jnp.concatenate([enc_d, enc_a], axis=1)


def _edge_h1(g, enc, w_ref, b1_ref, vt, et):
    return (g
            + jnp.dot(enc, w_ref[...], preferred_element_type=jnp.float32)
            + b1_ref[...])


def _e1_body(g_ref, enc_ref, w_ref, b1_ref, out_ref, *, vt, et):
    i = pl.program_id(0)

    @pl.when(i == 0)
    def _():
        out_ref[...] = jnp.zeros_like(out_ref)

    h1 = _edge_h1(g_ref[...], enc_ref[...], w_ref, b1_ref, vt, et)
    out_ref[0:1, :] += jnp.sum(h1, axis=0, keepdims=True)
    out_ref[1:2, :] += jnp.sum(h1 * h1, axis=0, keepdims=True)


def _e2_body(g_ref, enc_ref, w_ref, b1_ref, a1_ref, c1_ref,
             w2_ref, b2_ref, out_ref, *, vt, et):
    i = pl.program_id(0)

    @pl.when(i == 0)
    def _():
        out_ref[...] = jnp.zeros_like(out_ref)

    h1 = _edge_h1(g_ref[...], enc_ref[...], w_ref, b1_ref, vt, et)
    h = h1 * a1_ref[...] + c1_ref[...]
    h = h * jax.nn.sigmoid(h)
    h2 = jnp.dot(h, w2_ref[...], preferred_element_type=jnp.float32) + b2_ref[...]
    out_ref[0:1, :] += jnp.sum(h2, axis=0, keepdims=True)
    out_ref[1:2, :] += jnp.sum(h2 * h2, axis=0, keepdims=True)


def _e3_body(g_ref, enc_ref, w_ref, b1_ref, a1_ref, c1_ref,
             w2_ref, b2_ref, a2_ref, c2_ref, out_ref, *, vt, et):
    h1 = _edge_h1(g_ref[...], enc_ref[...], w_ref, b1_ref, vt, et)
    h = h1 * a1_ref[...] + c1_ref[...]
    h = h * jax.nn.sigmoid(h)
    h2 = jnp.dot(h, w2_ref[...], preferred_element_type=jnp.float32) + b2_ref[...]
    y = h2 * a2_ref[...] + c2_ref[...]
    f2 = y[:, :H]
    c2 = y[:, H:]
    glu = jax.nn.sigmoid(f2) * jax.nn.softplus(c2)
    out_ref[...] = jnp.sum(glu.reshape(vt, K, H), axis=1)


def _knn_body(vp_ref, nvp_ref, ppt_ref, idx_ref, d_ref, a_ref, *, rt, npad):
    v = vp_ref[0]
    nv = nvp_ref[0]
    pt = ppt_ref[0]
    v4 = jnp.concatenate([-2.0 * v, jnp.ones((rt, 1), jnp.float32)], axis=1)
    s = jnp.dot(v4, pt, preferred_element_type=jnp.float32,
                precision=jax.lax.Precision.HIGHEST)
    q = jnp.dot(nv, pt[0:3, :], preferred_element_type=jnp.float32,
                precision=jax.lax.Precision.HIGHEST)
    vn2 = jnp.sum(v * v, axis=1, keepdims=True)
    vdn = jnp.sum(v * nv, axis=1, keepdims=True)
    iota = jax.lax.broadcasted_iota(jnp.int32, (rt, npad), 1)
    big = jnp.int32(2 ** 30)
    bigf = jnp.float32(3e38)
    icols, dcols, acols = [], [], []
    for _ in range(K):
        m = jnp.min(s, axis=1, keepdims=True)
        hit = s <= m
        icols.append(jnp.min(jnp.where(hit, iota, big), axis=1, keepdims=True))
        qs = jnp.min(jnp.where(hit, q, bigf), axis=1, keepdims=True)
        d = jnp.sqrt(jnp.maximum(m + vn2, 0.0))
        dcols.append(d)
        acols.append((qs - vdn) / d)
        s = jnp.where(hit, jnp.inf, s)
    idx_ref[0] = jnp.concatenate(icols, axis=1)
    d_ref[0] = jnp.concatenate(dcols, axis=1)
    a_ref[0] = jnp.concatenate(acols, axis=1)


def _knn(verts, node_pos, vnormals, n):
    npad = -(-n // 128) * 128
    rt = 128
    vp = jnp.pad(verts.reshape(B, n, 3), ((0, 0), (0, npad - n), (0, 0)))
    nvp = jnp.pad(vnormals.reshape(B, n, 3), ((0, 0), (0, npad - n), (0, 0)))
    pp = jnp.pad(node_pos.reshape(B, n, 3), ((0, 0), (0, npad - n), (0, 0)),
                 constant_values=1e6)
    ppt = jnp.transpose(pp, (0, 2, 1))
    ppt = jnp.concatenate(
        [ppt, jnp.sum(ppt * ppt, axis=1, keepdims=True)], axis=1)
    idx, d, a = pl.pallas_call(
        functools.partial(_knn_body, rt=rt, npad=npad),
        grid=(B, npad // rt),
        in_specs=[
            pl.BlockSpec((1, rt, 3), lambda b, r: (b, r, 0)),
            pl.BlockSpec((1, rt, 3), lambda b, r: (b, r, 0)),
            pl.BlockSpec((1, 4, npad), lambda b, r: (b, 0, 0)),
        ],
        out_specs=[
            pl.BlockSpec((1, rt, K), lambda b, r: (b, r, 0)),
            pl.BlockSpec((1, rt, K), lambda b, r: (b, r, 0)),
            pl.BlockSpec((1, rt, K), lambda b, r: (b, r, 0)),
        ],
        out_shape=[
            jax.ShapeDtypeStruct((B, npad, K), jnp.int32),
            jax.ShapeDtypeStruct((B, npad, K), jnp.float32),
            jax.ShapeDtypeStruct((B, npad, K), jnp.float32),
        ],
    )(vp, nvp, ppt)
    idx = idx[:, :n, :]
    idxf = (idx + (jnp.arange(B, dtype=jnp.int32) * n)[:, None, None]).reshape(-1)
    e = idxf.shape[0]
    dist_e = d[:, :n, :].reshape(e, 1)
    ang_e = a[:, :n, :].reshape(e, 1)
    geo = jnp.concatenate(
        [dist_e, ang_e, jnp.zeros((e, 14), jnp.float32)], axis=1)
    return idxf, geo


_NW = 32
_GC = 128



def _sc_gather(table, idxf):
    e = idxf.shape[0]
    td = table.shape[1]
    nchunks = e // _GC
    trips = -(-nchunks // _NW)
    mesh = plsc.VectorSubcoreMesh(core_axis_name="c", subcore_axis_name="s")

    def body(t_hbm, idx_hbm, out_hbm, idx_v0, idx_v1, rows_v0, rows_v1,
             sem0, sem1):
        wid = lax.axis_index("c") * 16 + lax.axis_index("s")

        def step(i, _):
            g0 = wid + (2 * i) * _NW
            g1 = wid + (2 * i + 1) * _NW

            @pl.when(g0 < nchunks)
            def _():
                pltpu.sync_copy(idx_hbm.at[pl.ds(g0 * _GC, _GC)], idx_v0)
                pltpu.async_copy(t_hbm.at[idx_v0], rows_v0, sem0)

            @pl.when(g1 < nchunks)
            def _():
                pltpu.sync_copy(idx_hbm.at[pl.ds(g1 * _GC, _GC)], idx_v1)
                pltpu.async_copy(t_hbm.at[idx_v1], rows_v1, sem1)

            @pl.when(g0 < nchunks)
            def _():
                pltpu.make_async_copy(t_hbm.at[idx_v0], rows_v0, sem0).wait()
                pltpu.sync_copy(rows_v0, out_hbm.at[pl.ds(g0 * _GC, _GC)])

            @pl.when(g1 < nchunks)
            def _():
                pltpu.make_async_copy(t_hbm.at[idx_v1], rows_v1, sem1).wait()
                pltpu.sync_copy(rows_v1, out_hbm.at[pl.ds(g1 * _GC, _GC)])
            return 0

        lax.fori_loop(0, -(-trips // 2), step, 0)

    return pl.kernel(
        body,
        out_type=jax.ShapeDtypeStruct((e, td), jnp.float32),
        mesh=mesh,
        scratch_types=[
            pltpu.VMEM((_GC,), jnp.int32),
            pltpu.VMEM((_GC,), jnp.int32),
            pltpu.VMEM((_GC, td), jnp.float32),
            pltpu.VMEM((_GC, td), jnp.float32),
            pltpu.SemaphoreType.DMA,
            pltpu.SemaphoreType.DMA,
        ],
    )(table, idxf)


def _bn_coefs(s, sq, count, g, be):
    mean = s / count
    var = sq / count - mean * mean
    a = g / jnp.sqrt(var + EPS)
    c = be - mean * a
    return a[None, :], c[None, :]


def _pick_vt(n_verts):
    for vt in (400, 200, 80, 40, 8):
        if n_verts % vt == 0:
            return vt
    return 8


def _edge_stage(gath, geo, n_verts, sw1r, sb1, sg1, sbe1, sw2, sb2, sg2, sbe2):
    e = gath.shape[0]
    vt = _pick_vt(n_verts)
    et = vt * K
    grid = n_verts // vt

    enc = pl.pallas_call(
        _enc_body, grid=(e // et,),
        in_specs=[pl.BlockSpec((et, 16), lambda i: (i, 0))],
        out_specs=pl.BlockSpec((et, 2 * NGDF), lambda i: (i, 0)),
        out_shape=jax.ShapeDtypeStruct((e, 2 * NGDF), jnp.float32),
    )(geo)

    espec = [
        pl.BlockSpec((et, H), lambda i: (i, 0)),
        pl.BlockSpec((et, 2 * NGDF), lambda i: (i, 0)),
        pl.BlockSpec((2 * NGDF, H), lambda i: (0, 0)),
        pl.BlockSpec((1, H), lambda i: (0, 0)),
    ]
    acc1 = pl.pallas_call(
        functools.partial(_e1_body, vt=vt, et=et),
        grid=(grid,),
        in_specs=espec,
        out_specs=pl.BlockSpec((2, H), lambda i: (0, 0)),
        out_shape=jax.ShapeDtypeStruct((2, H), jnp.float32),
    )(gath, enc, sw1r, sb1[None, :])
    a1, c1 = _bn_coefs(acc1[0], acc1[1], e, sg1, sbe1)

    espec2 = espec + [
        pl.BlockSpec((1, H), lambda i: (0, 0)),
        pl.BlockSpec((1, H), lambda i: (0, 0)),
        pl.BlockSpec((H, 2 * H), lambda i: (0, 0)),
        pl.BlockSpec((1, 2 * H), lambda i: (0, 0)),
    ]
    acc2 = pl.pallas_call(
        functools.partial(_e2_body, vt=vt, et=et),
        grid=(grid,),
        in_specs=espec2,
        out_specs=pl.BlockSpec((2, 2 * H), lambda i: (0, 0)),
        out_shape=jax.ShapeDtypeStruct((2, 2 * H), jnp.float32),
    )(gath, enc, sw1r, sb1[None, :], a1, c1, sw2, sb2[None, :])
    a2, c2 = _bn_coefs(acc2[0], acc2[1], e, sg2, sbe2)

    espec3 = espec2 + [
        pl.BlockSpec((1, 2 * H), lambda i: (0, 0)),
        pl.BlockSpec((1, 2 * H), lambda i: (0, 0)),
    ]
    hcg = pl.pallas_call(
        functools.partial(_e3_body, vt=vt, et=et),
        grid=(grid,),
        in_specs=espec3,
        out_specs=pl.BlockSpec((vt, H), lambda i: (i, 0)),
        out_shape=jax.ShapeDtypeStruct((n_verts, H), jnp.float32),
    )(gath, enc, sw1r, sb1[None, :], a1, c1, sw2, sb2[None, :], a2, c2)
    return hcg



def _acc_stats(s_ref, y, first):
    @pl.when(first)
    def _():
        s_ref[...] = jnp.zeros_like(s_ref)

    s_ref[0:1, :] += jnp.sum(y, axis=0, keepdims=True)
    s_ref[1:2, :] += jnp.sum(y * y, axis=0, keepdims=True)


def _lin_body(x_ref, w_ref, b_ref, y_ref, s_ref):
    y = jnp.dot(x_ref[...], w_ref[...],
                preferred_element_type=jnp.float32) + b_ref[...]
    y_ref[...] = y
    _acc_stats(s_ref, y, pl.program_id(0) == 0)


def _lin2_body(y_ref, a_ref, c_ref, w_ref, b_ref, y2_ref, s_ref):
    h = y_ref[...] * a_ref[...] + c_ref[...]
    h = h * jax.nn.sigmoid(h)
    y2 = jnp.dot(h, w_ref[...],
                 preferred_element_type=jnp.float32) + b_ref[...]
    y2_ref[...] = y2
    _acc_stats(s_ref, y2, pl.program_id(0) == 0)


def _chem_body(y_ref, a_ref, c_ref, w_ref, hc_ref, z_ref):
    yb = y_ref[...] * a_ref[...] + c_ref[...]
    hc = jax.nn.sigmoid(yb[:, :H]) * jax.nn.softplus(yb[:, H:])
    hc_ref[...] = hc
    z_ref[...] = jnp.dot(hc, w_ref[...], preferred_element_type=jnp.float32)


def _f1_body(hcg_ref, yg_ref, ag_ref, cg_ref, w_ref, b_ref, y_ref, s_ref):
    hg = yg_ref[...] * ag_ref[...] + cg_ref[...]
    x = jnp.concatenate([hcg_ref[...], hg], axis=1)
    y = jnp.dot(x, w_ref[...], preferred_element_type=jnp.float32) + b_ref[...]
    y_ref[...] = y
    _acc_stats(s_ref, y, pl.program_id(0) == 0)


def _bn_apply_body(y_ref, a_ref, c_ref, out_ref):
    out_ref[...] = y_ref[...] * a_ref[...] + c_ref[...]


def _pick_rows(n):
    for r in (2000, 400, 200, 80, 8):
        if n % r == 0:
            return r
    return 8


def _row_spec(rt, d):
    return pl.BlockSpec((rt, d), lambda i: (i, 0))


def _full_spec(r, d):
    return pl.BlockSpec((r, d), lambda i: (0, 0))


def _dense_call(body, n, rt, in_specs, outd, arrays, extra_outs=None):
    out_specs = [_row_spec(rt, outd), pl.BlockSpec((2, outd), lambda i: (0, 0))]
    out_shape = [jax.ShapeDtypeStruct((n, outd), jnp.float32),
                 jax.ShapeDtypeStruct((2, outd), jnp.float32)]
    return pl.pallas_call(
        body, grid=(n // rt,), in_specs=in_specs,
        out_specs=out_specs, out_shape=out_shape)(*arrays)


def _lin(x, w, b):
    n, ind = x.shape
    outd = w.shape[1]
    rt = _pick_rows(n)
    return _dense_call(
        _lin_body, n, rt,
        [_row_spec(rt, ind), _full_spec(ind, outd), _full_spec(1, outd)],
        outd, (x, w, b[None, :]))


def _lin2(y, a, c, w, b):
    n, ind = y.shape
    outd = w.shape[1]
    rt = _pick_rows(n)
    return _dense_call(
        _lin2_body, n, rt,
        [_row_spec(rt, ind), _full_spec(1, ind), _full_spec(1, ind),
         _full_spec(ind, outd), _full_spec(1, outd)],
        outd, (y, a, c, w, b[None, :]))


def _chem_apply(y, a, c, w):
    n = y.shape[0]
    rt = _pick_rows(n)
    return pl.pallas_call(
        _chem_body, grid=(n // rt,),
        in_specs=[_row_spec(rt, 2 * H), _full_spec(1, 2 * H),
                  _full_spec(1, 2 * H), _full_spec(H, H)],
        out_specs=[_row_spec(rt, H), _row_spec(rt, H)],
        out_shape=[jax.ShapeDtypeStruct((n, H), jnp.float32),
                   jax.ShapeDtypeStruct((n, H), jnp.float32)],
    )(y, a, c, w)


def _f1(hcg, yg, ag, cg, w, b):
    n = hcg.shape[0]
    rt = _pick_rows(n)
    return _dense_call(
        _f1_body, n, rt,
        [_row_spec(rt, H), _row_spec(rt, H), _full_spec(1, H),
         _full_spec(1, H), _full_spec(2 * H, H), _full_spec(1, H)],
        H, (hcg, yg, ag, cg, w, b[None, :]))


def _bn_apply(y, a, c):
    n, d = y.shape
    rt = _pick_rows(n)
    return pl.pallas_call(
        _bn_apply_body, grid=(n // rt,),
        in_specs=[_row_spec(rt, d), _full_spec(1, d), _full_spec(1, d)],
        out_specs=_row_spec(rt, d),
        out_shape=jax.ShapeDtypeStruct((n, d), jnp.float32),
    )(y, a, c)


def kernel(graph_x, surface_x, verts, node_pos, vnormals,
           cw1, cb1, cg1, cbe1, cw2, cb2, cg2, cbe2,
           gw1, gb1, gg1, gbe1, gw2, gb2, gg2, gbe2,
           sw1, sb1, sg1, sbe1, sw2, sb2, sg2, sbe2,
           fw1, fb1, fg1, fbe1, fw2, fb2, fg2, fbe2):
    n_total = verts.shape[0]
    n = n_total // B

    y_c1, st = _lin(graph_x, cw1, cb1)
    a, c = _bn_coefs(st[0], st[1], n_total, cg1, cbe1)
    y_c2, st = _lin2(y_c1, a, c, cw2, cb2)
    a, c = _bn_coefs(st[0], st[1], n_total, cg2, cbe2)
    h_chem, z = _chem_apply(y_c2, a, c, sw1[:H])

    y_g1, st = _lin(surface_x, gw1, gb1)
    a, c = _bn_coefs(st[0], st[1], n_total, gg1, gbe1)
    y_g2, st = _lin2(y_g1, a, c, gw2, gb2)
    ag2, cg2_ = _bn_coefs(st[0], st[1], n_total, gg2, gbe2)

    idxf, geo = _knn(verts, node_pos, vnormals, n)

    gath = _sc_gather(z, idxf)
    hcg = _edge_stage(gath, geo, n_total, sw1[H:], sb1, sg1, sbe1,
                      sw2, sb2, sg2, sbe2)

    y_f1, st = _f1(hcg, y_g2, ag2, cg2_, fw1, fb1)
    a, c = _bn_coefs(st[0], st[1], n_total, fg1, fbe1)
    y_f2, st = _lin2(y_f1, a, c, fw2, fb2)
    a, c = _bn_coefs(st[0], st[1], n_total, fg2, fbe2)
    h_geom = _bn_apply(y_f2, a, c)
    return (h_geom, h_chem)

# --- scband reference (transcript-rebuilt; emitter-appended) ---
"""Pipeline reference for scband-hmrinput-encoder-22668837388639 (READ-ONLY COPY).

The authoritative reference and input builder live on the scoring server;
editing this copy changes nothing except your own understanding.
"""

import jax, jax.numpy as jnp
import numpy as np

N = 50000
B = 16
K = 16
H = 128
NGDF = 16

def _rbf(D, D_min, D_max, D_count):
    D_mu = jnp.linspace(D_min, D_max, D_count)
    D_sigma = (D_max - D_min) / D_count
    return jnp.exp(-(((D[..., None] - D_mu) / D_sigma) ** 2))

def _bn(x, g, b):
    m = jnp.mean(x, axis=0)
    v = jnp.var(x, axis=0)
    return g * (x - m) / jnp.sqrt(v + 1e-5) + b

def _mlp(x, w1, b1, g1, be1, w2, b2, g2, be2):
    h = x @ w1 + b1
    h = _bn(h, g1, be1)
    h = jax.nn.silu(h)
    h = h @ w2 + b2
    h = _bn(h, g2, be2)
    return h

_PARAM_SHAPES = {
    'cw1': (30, H), 'cb1': (H,), 'cg1': (H,), 'cbe1': (H,),
    'cw2': (H, 2 * H), 'cb2': (2 * H,), 'cg2': (2 * H,), 'cbe2': (2 * H,),
    'gw1': (22, H), 'gb1': (H,), 'gg1': (H,), 'gbe1': (H,),
    'gw2': (H, H), 'gb2': (H,), 'gg2': (H,), 'gbe2': (H,),
    'sw1': (H + 2 * NGDF, H), 'sb1': (H,), 'sg1': (H,), 'sbe1': (H,),
    'sw2': (H, 2 * H), 'sb2': (2 * H,), 'sg2': (2 * H,), 'sbe2': (2 * H,),
    'fw1': (2 * H, H), 'fb1': (H,), 'fg1': (H,), 'fbe1': (H,),
    'fw2': (H, H), 'fb2': (H,), 'fg2': (H,), 'fbe2': (H,),
}

def setup_inputs(seed: int = 0):
    key = jax.random.key(seed)
    ks = jax.random.split(key, 40)
    inp = {}
    inp['graph_x'] = jax.random.normal(ks[0], (N, 30), dtype=jnp.float32)
    inp['surface_x'] = jax.random.normal(ks[1], (N, 22), dtype=jnp.float32)
    inp['verts'] = jax.random.normal(ks[2], (N, 3), dtype=jnp.float32) * 10.0
    inp['node_pos'] = jax.random.normal(ks[3], (N, 3), dtype=jnp.float32) * 10.0
    vn = jax.random.normal(ks[4], (N, 3), dtype=jnp.float32)
    inp['vnormals'] = vn / jnp.linalg.norm(vn, axis=-1, keepdims=True)
    i = 5
    for name, sh in _PARAM_SHAPES.items():
        if 'w' in name:
            inp[name] = jax.random.normal(ks[i], sh, dtype=jnp.float32) * 0.05
            i += 1
        elif name[1:3] == 'be':
            inp[name] = jnp.zeros(sh, dtype=jnp.float32)
        elif name[1] == 'g':
            inp[name] = jnp.ones(sh, dtype=jnp.float32)
        else:
            inp[name] = jnp.zeros(sh, dtype=jnp.float32)
    return inp

def reference(graph_x, surface_x, verts, node_pos, vnormals,
              cw1, cb1, cg1, cbe1, cw2, cb2, cg2, cbe2,
              gw1, gb1, gg1, gbe1, gw2, gb2, gg2, gbe2,
              sw1, sb1, sg1, sbe1, sw2, sb2, sg2, sbe2,
              fw1, fb1, fg1, fbe1, fw2, fb2, fg2, fbe2):
    h_geom = _mlp(surface_x, gw1, gb1, gg1, gbe1, gw2, gb2, gg2, gbe2)
    h_chem = _mlp(graph_x, cw1, cb1, cg1, cbe1, cw2, cb2, cg2, cbe2)
    f, c = jnp.split(h_chem, 2, axis=-1)
    h_chem = jax.nn.sigmoid(f) * jax.nn.softplus(c)
    n = N // B
    v_ng = jax.lax.stop_gradient(verts)
    p_ng = jax.lax.stop_gradient(node_pos)
    nv_list, ng_list = [], []
    for i in range(B):
        v = v_ng[i * n:(i + 1) * n]
        p = p_ng[i * n:(i + 1) * n]
        d = jnp.sqrt(jnp.sum((v[:, None, :] - p[None, :, :]) ** 2, axis=-1))
        idx = jax.lax.top_k(-d, K)[1]
        nv_list.append(jnp.repeat(jnp.arange(n), K) + i * n)
        ng_list.append(idx.reshape(-1) + i * n)
    neigh_verts = jnp.concatenate(nv_list).astype(jnp.int32)
    neigh_graphs = jnp.concatenate(ng_list).astype(jnp.int32)
    all_chem = h_chem[neigh_graphs]
    all_normals = vnormals[neigh_verts]
    edge_vecs = node_pos[neigh_graphs] - verts[neigh_verts]
    edge_dists = jnp.linalg.norm(edge_vecs, axis=-1)
    normed = edge_vecs / edge_dists[:, None]
    ang = jnp.einsum('vj,vj->v', normed, all_normals)
    enc_d = _rbf(edge_dists, 0.0, 8.0, NGDF)
    enc_a = _rbf(ang, -1.0, 1.0, NGDF)
    msg = jnp.concatenate([all_chem, enc_d, enc_a], axis=-1)
    emb = _mlp(msg, sw1, sb1, sg1, sbe1, sw2, sb2, sg2, sbe2)
    f2, c2 = jnp.split(emb, 2, axis=-1)
    hcg = jax.nn.sigmoid(f2) * jax.nn.softplus(c2)
    hcg = jax.ops.segment_sum(hcg, neigh_verts, num_segments=N)
    h_geom = _mlp(jnp.concatenate([hcg, h_geom], axis=-1), fw1, fb1, fg1, fbe1, fw2, fb2, fg2, fbe2)
    return (h_geom, h_chem)

if __name__ == "__main__":
    import jax
    _d = setup_inputs()
    print(jax.jit(kernel)(*tuple(_d.values())))

</pallas_src>

<mosaic_0001>
#map = affine_map<(d0, d1) -> (0, 0)>
#map1 = affine_map<(d0, d1) -> (0)>
module attributes {stable_mosaic.version = 14 : i64} {
  func.func @body(%arg0: i32, %arg1: i32, %arg2: memref<50000x128xf32, #tpu.memory_space<hbm>>, %arg3: memref<800000xi32, #tpu.memory_space<hbm>>, %arg4: memref<800000x128xf32, #tpu.memory_space<hbm>>, %arg5: memref<128xi32, #tpu.memory_space<vmem>>, %arg6: memref<128xi32, #tpu.memory_space<vmem>>, %arg7: memref<128x128xf32, #tpu.memory_space<vmem>>, %arg8: memref<128x128xf32, #tpu.memory_space<vmem>>, %arg9: memref<!tpu.dma_semaphore, #tpu.memory_space<semaphore_mem>>, %arg10: memref<!tpu.dma_semaphore, #tpu.memory_space<semaphore_mem>>) attributes {dimension_semantics = [#tpu.dimension_semantics<core_parallel>, #tpu.dimension_semantics<subcore_parallel>], iteration_bounds = array<i64: 2, 16>, scalar_prefetch = 0 : i64, scratch_operands = 6 : i64, tpu.core_type = #tpu.core_type<sc_vector_subcore>, window_params = [{transform_indices = #map}, {transform_indices = #map1}, {transform_indices = #map}]} {
    %mul3A = arith.constant 16 : i32
    %mul3A_0 = arith.muli %arg0, %mul3A : i32
    %add3A = arith.addi %mul3A_0, %arg1 : i32
    %scan3A = arith.constant 0 : i32
    %scan3A_1 = arith.constant 0 : i32
    %scan3A_2 = arith.constant 98 : i32
    %scan3A_3 = arith.addi %scan3A_1, %scan3A_2 : i32
    %scan3A_4 = arith.constant 1 : i32
    %scan3A_5 = scf.for %scan3A_7 = %scan3A_1 to %scan3A_3 step %scan3A_4 iter_args(%scan3A_8 = %scan3A) -> (i32)  : i32 {
      %mul3A_9 = arith.constant 2 : i32
      %mul3A_10 = arith.muli %mul3A_9, %scan3A_7 : i32
      %mul3A_11 = arith.constant 32 : i32
      %mul3A_12 = arith.muli %mul3A_10, %mul3A_11 : i32
      %add3A_13 = arith.addi %add3A, %mul3A_12 : i32
      %mul3A_14 = arith.constant 2 : i32
      %mul3A_15 = arith.muli %mul3A_14, %scan3A_7 : i32
      %add3A_16 = arith.constant 1 : i32
      %add3A_17 = arith.addi %mul3A_15, %add3A_16 : i32
      %mul3A_18 = arith.constant 32 : i32
      %mul3A_19 = arith.muli %add3A_17, %mul3A_18 : i32
      %add3A_20 = arith.addi %add3A, %mul3A_19 : i32
      %lt3A = arith.constant 6250 : i32
      %lt3A_21 = arith.cmpi slt, %add3A_13, %lt3A : i32
      %convert_element_type3A = arith.extui %lt3A_21 : i1 to i32
      %cond3A = arith.constant 0 : i32
      %cond3A_22 = arith.cmpi ne, %convert_element_type3A, %cond3A : i32
      scf.if %cond3A_22 {
        %mul3A_39 = arith.constant 128 : i32
        %mul3A_40 = arith.muli %add3A_13, %mul3A_39 : i32
        "tpu.region"() ({
          %run_scoped3A = tpu.sem_alloc : memref<!tpu.dma_semaphore, #tpu.memory_space<semaphore_mem>>
          %dma_start3A_43 = tpu.memref_slice %arg3[%mul3A_40] : memref<800000xi32, #tpu.memory_space<hbm>> -> memref<128xi32, #tpu.memory_space<hbm>>
          %dma_start3A_44 = tpu.memref_slice %arg3[%mul3A_40] : memref<800000xi32, #tpu.memory_space<hbm>> -> memref<128xi32, #tpu.memory_space<hbm>>
          tpu.enqueue_dma source(%dma_start3A_44 : memref<128xi32, #tpu.memory_space<hbm>>) target(%arg5 : memref<128xi32, #tpu.memory_space<vmem>>) target_semaphore(%run_scoped3A : memref<!tpu.dma_semaphore, #tpu.memory_space<semaphore_mem>>)
          %dma_wait3A = tpu.memref_slice %arg3[%mul3A_40] : memref<800000xi32, #tpu.memory_space<hbm>> -> memref<128xi32, #tpu.memory_space<hbm>>
          %dma_wait3A_45 = tpu.memref_slice %arg3[%mul3A_40] : memref<800000xi32, #tpu.memory_space<hbm>> -> memref<128xi32, #tpu.memory_space<hbm>>
          tpu.wait_dma2 semaphore(%run_scoped3A : memref<!tpu.dma_semaphore, #tpu.memory_space<semaphore_mem>>) src(%dma_wait3A_45 : memref<128xi32, #tpu.memory_space<hbm>>) dst(%arg5 : memref<128xi32, #tpu.memory_space<vmem>>)
          tpu.yield
        }) : () -> ()
        %dma_start3A = arith.constant 0 : i32
        %dma_start3A_41 = arith.constant 0 : i32
        %dma_start3A_42 = tpu.memref_slice %arg2[%dma_start3A, %dma_start3A_41] : memref<50000x128xf32, #tpu.memory_space<hbm>> -> memref<50000x128xf32, #tpu.memory_space<hbm>>
        tpu.enqueue_indirect_dma source(%dma_start3A_42 : memref<50000x128xf32, #tpu.memory_space<hbm>>) target(%arg7 : memref<128x128xf32, #tpu.memory_space<vmem>>) offsets(%arg5 : memref<128xi32, #tpu.memory_space<vmem>>) semaphore(%arg9 : memref<!tpu.dma_semaphore, #tpu.memory_space<semaphore_mem>>)
      } else {
      }
      %lt3A_23 = arith.constant 6250 : i32
      %lt3A_24 = arith.cmpi slt, %add3A_20, %lt3A_23 : i32
      %convert_element_type3A_25 = arith.extui %lt3A_24 : i1 to i32
      %cond3A_26 = arith.constant 0 : i32
      %cond3A_27 = arith.cmpi ne, %convert_element_type3A_25, %cond3A_26 : i32
      scf.if %cond3A_27 {
        %mul3A_39 = arith.constant 128 : i32
        %mul3A_40 = arith.muli %add3A_20, %mul3A_39 : i32
        "tpu.region"() ({
          %run_scoped3A = tpu.sem_alloc : memref<!tpu.dma_semaphore, #tpu.memory_space<semaphore_mem>>
          %dma_start3A_43 = tpu.memref_slice %arg3[%mul3A_40] : memref<800000xi32, #tpu.memory_space<hbm>> -> memref<128xi32, #tpu.memory_space<hbm>>
          %dma_start3A_44 = tpu.memref_slice %arg3[%mul3A_40] : memref<800000xi32, #tpu.memory_space<hbm>> -> memref<128xi32, #tpu.memory_space<hbm>>
          tpu.enqueue_dma source(%dma_start3A_44 : memref<128xi32, #tpu.memory_space<hbm>>) target(%arg6 : memref<128xi32, #tpu.memory_space<vmem>>) target_semaphore(%run_scoped3A : memref<!tpu.dma_semaphore, #tpu.memory_space<semaphore_mem>>)
          %dma_wait3A = tpu.memref_slice %arg3[%mul3A_40] : memref<800000xi32, #tpu.memory_space<hbm>> -> memref<128xi32, #tpu.memory_space<hbm>>
          %dma_wait3A_45 = tpu.memref_slice %arg3[%mul3A_40] : memref<800000xi32, #tpu.memory_space<hbm>> -> memref<128xi32, #tpu.memory_space<hbm>>
          tpu.wait_dma2 semaphore(%run_scoped3A : memref<!tpu.dma_semaphore, #tpu.memory_space<semaphore_mem>>) src(%dma_wait3A_45 : memref<128xi32, #tpu.memory_space<hbm>>) dst(%arg6 : memref<128xi32, #tpu.memory_space<vmem>>)
          tpu.yield
        }) : () -> ()
        %dma_start3A = arith.constant 0 : i32
        %dma_start3A_41 = arith.constant 0 : i32
        %dma_start3A_42 = tpu.memref_slice %arg2[%dma_start3A, %dma_start3A_41] : memref<50000x128xf32, #tpu.memory_space<hbm>> -> memref<50000x128xf32, #tpu.memory_space<hbm>>
        tpu.enqueue_indirect_dma source(%dma_start3A_42 : memref<50000x128xf32, #tpu.memory_space<hbm>>) target(%arg8 : memref<128x128xf32, #tpu.memory_space<vmem>>) offsets(%arg6 : memref<128xi32, #tpu.memory_space<vmem>>) semaphore(%arg10 : memref<!tpu.dma_semaphore, #tpu.memory_space<semaphore_mem>>)
      } else {
      }
      %lt3A_28 = arith.constant 6250 : i32
      %lt3A_29 = arith.cmpi slt, %add3A_13, %lt3A_28 : i32
      %convert_element_type3A_30 = arith.extui %lt3A_29 : i1 to i32
      %cond3A_31 = arith.constant 0 : i32
      %cond3A_32 = arith.cmpi ne, %convert_element_type3A_30, %cond3A_31 : i32
      scf.if %cond3A_32 {
        %dma_wait3A = arith.constant 0 : i32
        %dma_wait3A_39 = arith.constant 0 : i32
        %dma_wait3A_40 = tpu.memref_slice %arg2[%dma_wait3A, %dma_wait3A_39] : memref<50000x128xf32, #tpu.memory_space<hbm>> -> memref<50000x128xf32, #tpu.memory_space<hbm>>
        tpu.wait_indirect_dma semaphore(%arg9 : memref<!tpu.dma_semaphore, #tpu.memory_space<semaphore_mem>>) src(%dma_wait3A_40 : memref<50000x128xf32, #tpu.memory_space<hbm>>) dst(%arg7 : memref<128x128xf32, #tpu.memory_space<vmem>>)
        %mul3A_41 = arith.constant 128 : i32
        %mul3A_42 = arith.muli %add3A_13, %mul3A_41 : i32
        "tpu.region"() ({
          %run_scoped3A = tpu.sem_alloc : memref<!tpu.dma_semaphore, #tpu.memory_space<semaphore_mem>>
          %dma_start3A = arith.constant 0 : i32
          %dma_start3A_43 = tpu.memref_slice %arg4[%mul3A_42, %dma_start3A] : memref<800000x128xf32, #tpu.memory_space<hbm>> -> memref<128x128xf32, #tpu.memory_space<hbm>>
          %dma_start3A_44 = arith.constant 0 : i32
          %dma_start3A_45 = tpu.memref_slice %arg4[%mul3A_42, %dma_start3A_44] : memref<800000x128xf32, #tpu.memory_space<hbm>> -> memref<128x128xf32, #tpu.memory_space<hbm>>
          tpu.enqueue_dma source(%arg7 : memref<128x128xf32, #tpu.memory_space<vmem>>) target(%dma_start3A_45 : memref<128x128xf32, #tpu.memory_space<hbm>>) target_semaphore(%run_scoped3A : memref<!tpu.dma_semaphore, #tpu.memory_space<semaphore_mem>>)
          %dma_wait3A_46 = arith.constant 0 : i32
          %dma_wait3A_47 = tpu.memref_slice %arg4[%mul3A_42, %dma_wait3A_46] : memref<800000x128xf32, #tpu.memory_space<hbm>> -> memref<128x128xf32, #tpu.memory_space<hbm>>
          %dma_wait3A_48 = arith.constant 0 : i32
          %dma_wait3A_49 = tpu.memref_slice %arg4[%mul3A_42, %dma_wait3A_48] : memref<800000x128xf32, #tpu.memory_space<hbm>> -> memref<128x128xf32, #tpu.memory_space<hbm>>
          tpu.wait_dma2 semaphore(%run_scoped3A : memref<!tpu.dma_semaphore, #tpu.memory_space<semaphore_mem>>) src(%arg7 : memref<128x128xf32, #tpu.memory_space<vmem>>) dst(%dma_wait3A_49 : memref<128x128xf32, #tpu.memory_space<hbm>>)
          tpu.yield
        }) : () -> ()
      } else {
      }
      %lt3A_33 = arith.constant 6250 : i32
      %lt3A_34 = arith.cmpi slt, %add3A_20, %lt3A_33 : i32
      %convert_element_type3A_35 = arith.extui %lt3A_34 : i1 to i32
      %cond3A_36 = arith.constant 0 : i32
      %cond3A_37 = arith.cmpi ne, %convert_element_type3A_35, %cond3A_36 : i32
      scf.if %cond3A_37 {
        %dma_wait3A = arith.constant 0 : i32
        %dma_wait3A_39 = arith.constant 0 : i32
        %dma_wait3A_40 = tpu.memref_slice %arg2[%dma_wait3A, %dma_wait3A_39] : memref<50000x128xf32, #tpu.memory_space<hbm>> -> memref<50000x128xf32, #tpu.memory_space<hbm>>
        tpu.wait_indirect_dma semaphore(%arg10 : memref<!tpu.dma_semaphore, #tpu.memory_space<semaphore_mem>>) src(%dma_wait3A_40 : memref<50000x128xf32, #tpu.memory_space<hbm>>) dst(%arg8 : memref<128x128xf32, #tpu.memory_space<vmem>>)
        %mul3A_41 = arith.constant 128 : i32
        %mul3A_42 = arith.muli %add3A_20, %mul3A_41 : i32
        "tpu.region"() ({
          %run_scoped3A = tpu.sem_alloc : memref<!tpu.dma_semaphore, #tpu.memory_space<semaphore_mem>>
          %dma_start3A = arith.constant 0 : i32
          %dma_start3A_43 = tpu.memref_slice %arg4[%mul3A_42, %dma_start3A] : memref<800000x128xf32, #tpu.memory_space<hbm>> -> memref<128x128xf32, #tpu.memory_space<hbm>>
          %dma_start3A_44 = arith.constant 0 : i32
          %dma_start3A_45 = tpu.memref_slice %arg4[%mul3A_42, %dma_start3A_44] : memref<800000x128xf32, #tpu.memory_space<hbm>> -> memref<128x128xf32, #tpu.memory_space<hbm>>
          tpu.enqueue_dma source(%arg8 : memref<128x128xf32, #tpu.memory_space<vmem>>) target(%dma_start3A_45 : memref<128x128xf32, #tpu.memory_space<hbm>>) target_semaphore(%run_scoped3A : memref<!tpu.dma_semaphore, #tpu.memory_space<semaphore_mem>>)
          %dma_wait3A_46 = arith.constant 0 : i32
          %dma_wait3A_47 = tpu.memref_slice %arg4[%mul3A_42, %dma_wait3A_46] : memref<800000x128xf32, #tpu.memory_space<hbm>> -> memref<128x128xf32, #tpu.memory_space<hbm>>
          %dma_wait3A_48 = arith.constant 0 : i32
          %dma_wait3A_49 = tpu.memref_slice %arg4[%mul3A_42, %dma_wait3A_48] : memref<800000x128xf32, #tpu.memory_space<hbm>> -> memref<128x128xf32, #tpu.memory_space<hbm>>
          tpu.wait_dma2 semaphore(%run_scoped3A : memref<!tpu.dma_semaphore, #tpu.memory_space<semaphore_mem>>) src(%arg8 : memref<128x128xf32, #tpu.memory_space<vmem>>) dst(%dma_wait3A_49 : memref<128x128xf32, #tpu.memory_space<hbm>>)
          tpu.yield
        }) : () -> ()
      } else {
      }
      %scan3A_38 = arith.constant 0 : i32
      scf.yield %scan3A_38 : i32
    }
    %scan3A_6 = arith.constant 98 : i32
    return
  }
}

module attributes {stable_mosaic.version = 14 : i64} {
  func.func @_knn_body(%arg0: i32, %arg1: i32, %arg2: memref<1x128x3xf32, #tpu.memory_space<vmem>>, %arg3: memref<1x128x3xf32, #tpu.memory_space<vmem>>, %arg4: memref<1x4x3200xf32, #tpu.memory_space<vmem>>, %arg5: memref<1x128x16xi32, #tpu.memory_space<vmem>>, %arg6: memref<1x128x16xf32, #tpu.memory_space<vmem>>, %arg7: memref<1x128x16xf32, #tpu.memory_space<vmem>>) attributes {dimension_semantics = [#tpu.dimension_semantics<arbitrary>, #tpu.dimension_semantics<arbitrary>], iteration_bounds = array<i64: 16, 25>, scalar_prefetch = 0 : i64, scratch_operands = 0 : i64, tpu.core_type = #tpu.core_type<tc>, window_params = [{transform_indices = @transform_0, window_bounds = array<i64: 1, 128, 3>}, {transform_indices = @transform_1, window_bounds = array<i64: 1, 128, 3>}, {transform_indices = @transform_2, window_bounds = array<i64: 1, 4, 3200>}, {transform_indices = @transform_3, window_bounds = array<i64: 1, 128, 16>}, {transform_indices = @transform_4, window_bounds = array<i64: 1, 128, 16>}, {transform_indices = @transform_5, window_bounds = array<i64: 1, 128, 16>}]} {
    %get3A = arith.constant 0 : index
    %get3A_0 = arith.constant 0 : index
    %get3A_1 = arith.constant 0 : index
    %get3A_2 = vector.load %arg2[%get3A, %get3A_0, %get3A_1] : memref<1x128x3xf32, #tpu.memory_space<vmem>>, vector<1x128x3xf32>
    %get3A_3 = vector.shape_cast %get3A_2 : vector<1x128x3xf32> to vector<128x3xf32>
    %get3A_4 = arith.constant 0 : index
    %get3A_5 = arith.constant 0 : index
    %get3A_6 = arith.constant 0 : index
    %get3A_7 = vector.load %arg3[%get3A_4, %get3A_5, %get3A_6] : memref<1x128x3xf32, #tpu.memory_space<vmem>>, vector<1x128x3xf32>
    %get3A_8 = vector.shape_cast %get3A_7 : vector<1x128x3xf32> to vector<128x3xf32>
    %get3A_9 = arith.constant 0 : index
    %get3A_10 = arith.constant 0 : index
    %get3A_11 = arith.constant 0 : index
    %get3A_12 = vector.load %arg4[%get3A_9, %get3A_10, %get3A_11] : memref<1x4x3200xf32, #tpu.memory_space<vmem>>, vector<1x4x3200xf32>
    %get3A_13 = vector.shape_cast %get3A_12 : vector<1x4x3200xf32> to vector<4x3200xf32>
    %mul3A = arith.constant -2.000000e+00 : f32
    %mul3A_14 = vector.broadcast %mul3A : f32 to vector<128x3xf32>
    %mul3A_15 = arith.mulf %mul3A_14, %get3A_3 : vector<128x3xf32>
    %broadcast_in_dim3A = arith.constant 1.000000e+00 : f32
    %broadcast_in_dim3A_16 = vector.broadcast %broadcast_in_dim3A : f32 to vector<128x1xf32>
    %concatenate3A = tpu.concatenate %mul3A_15, %broadcast_in_dim3A_16 in 1 : vector<128x3xf32>, vector<128x1xf32> -> vector<128x4xf32>
    %dot_general3A = arith.constant dense<0.000000e+00> : vector<128x3200xf32>
    %dot_general3A_17 = tpu.matmul %concatenate3A, %get3A_13, %dot_general3A {dimension_numbers = #tpu.dot_dimension_numbers<[1], [0], [0], [1], [0, 0, 1, 1], [], []>, precision = #tpu.contract_precision<fp32>, transpose_lhs_hint = false} : vector<128x4xf32>, vector<4x3200xf32>, vector<128x3200xf32> -> vector<128x3200xf32>
    %slice3A = vector.extract_strided_slice %get3A_13 {offsets = [0, 0], sizes = [3, 3200], strides = [1, 1]} : vector<4x3200xf32> to vector<3x3200xf32>
    %dot_general3A_18 = arith.constant dense<0.000000e+00> : vector<128x3200xf32>
    %dot_general3A_19 = tpu.matmul %get3A_8, %slice3A, %dot_general3A_18 {dimension_numbers = #tpu.dot_dimension_numbers<[1], [0], [0], [1], [0, 0, 1, 1], [], []>, precision = #tpu.contract_precision<fp32>, transpose_lhs_hint = false} : vector<128x3xf32>, vector<3x3200xf32>, vector<128x3200xf32> -> vector<128x3200xf32>
    %mul3A_20 = arith.mulf %get3A_3, %get3A_3 : vector<128x3xf32>
    %reduce_sum3A = arith.constant dense<0.000000e+00> : vector<128xf32>
    %reduce_sum3A_21 = vector.multi_reduction <add>, %mul3A_20, %reduce_sum3A [1] : vector<128x3xf32> to vector<128xf32>
    %broadcast_in_dim3A_22 = vector.shape_cast %reduce_sum3A_21 : vector<128xf32> to vector<128x1xf32>
    %mul3A_23 = arith.mulf %get3A_3, %get3A_8 : vector<128x3xf32>
    %reduce_sum3A_24 = arith.constant dense<0.000000e+00> : vector<128xf32>
    %reduce_sum3A_25 = vector.multi_reduction <add>, %mul3A_23, %reduce_sum3A_24 [1] : vector<128x3xf32> to vector<128xf32>
    %broadcast_in_dim3A_26 = vector.shape_cast %reduce_sum3A_25 : vector<128xf32> to vector<128x1xf32>
    %iota3A = tpu.iota {dimensions = array<i32: 1>} : vector<128x3200xi32>
    %reduce_min3A = arith.constant dense<0x7F800000> : vector<128xf32>
    %reduce_min3A_27 = vector.multi_reduction <minimumf>, %dot_general3A_17, %reduce_min3A [1] : vector<128x3200xf32> to vector<128xf32>
    %broadcast_in_dim3A_28 = vector.shape_cast %reduce_min3A_27 : vector<128xf32> to vector<128x1xf32>
    %le3A = vector.broadcast %broadcast_in_dim3A_28 : vector<128x1xf32> to vector<128x3200xf32>
    %le3A_29 = arith.cmpf ole, %dot_general3A_17, %le3A : vector<128x3200xf32>
    %jit3A = arith.constant 1073741824 : i32
    %broadcast_in_dim3A_30 = vector.broadcast %jit3A : i32 to vector<128x3200xi32>
    %select_n3A = arith.select %le3A_29, %iota3A, %broadcast_in_dim3A_30 : vector<128x3200xi1>, vector<128x3200xi32>
    %reduce_min3A_31 = arith.constant dense<2147483647> : vector<128xi32>
    %reduce_min3A_32 = vector.multi_reduction <minsi>, %select_n3A, %reduce_min3A_31 [1] : vector<128x3200xi32> to vector<128xi32>
    %broadcast_in_dim3A_33 = vector.shape_cast %reduce_min3A_32 : vector<128xi32> to vector<128x1xi32>
    %jit3A_34 = arith.constant 3.000000e+38 : f32
    %broadcast_in_dim3A_35 = vector.broadcast %jit3A_34 : f32 to vector<128x3200xf32>
    %select_n3A_36 = arith.select %le3A_29, %dot_general3A_19, %broadcast_in_dim3A_35 : vector<128x3200xi1>, vector<128x3200xf32>
    %reduce_min3A_37 = arith.constant dense<0x7F800000> : vector<128xf32>
    %reduce_min3A_38 = vector.multi_reduction <minimumf>, %select_n3A_36, %reduce_min3A_37 [1] : vector<128x3200xf32> to vector<128xf32>
    %broadcast_in_dim3A_39 = vector.shape_cast %reduce_min3A_38 : vector<128xf32> to vector<128x1xf32>
    %add3A = arith.addf %broadcast_in_dim3A_28, %broadcast_in_dim3A_22 : vector<128x1xf32>
    %max3A = arith.constant 0.000000e+00 : f32
    %max3A_40 = vector.broadcast %max3A : f32 to vector<128x1xf32>
    %max3A_41 = arith.maximumf %add3A, %max3A_40 : vector<128x1xf32>
    %sqrt3A = math.sqrt %max3A_41 : vector<128x1xf32>
    %sub3A = arith.subf %broadcast_in_dim3A_39, %broadcast_in_dim3A_26 : vector<128x1xf32>
    %div3A = arith.divf %sub3A, %sqrt3A : vector<128x1xf32>
    %jit3A_42 = arith.constant 0x7F800000 : f32
    %broadcast_in_dim3A_43 = vector.broadcast %jit3A_42 : f32 to vector<128x3200xf32>
    %select_n3A_44 = arith.select %le3A_29, %broadcast_in_dim3A_43, %dot_general3A_17 : vector<128x3200xi1>, vector<128x3200xf32>
    %reduce_min3A_45 = arith.constant dense<0x7F800000> : vector<128xf32>
    %reduce_min3A_46 = vector.multi_reduction <minimumf>, %select_n3A_44, %reduce_min3A_45 [1] : vector<128x3200xf32> to vector<128xf32>
    %broadcast_in_dim3A_47 = vector.shape_cast %reduce_min3A_46 : vector<128xf32> to vector<128x1xf32>
    %le3A_48 = vector.broadcast %broadcast_in_dim3A_47 : vector<128x1xf32> to vector<128x3200xf32>
    %le3A_49 = arith.cmpf ole, %select_n3A_44, %le3A_48 : vector<128x3200xf32>
    %jit3A_50 = arith.constant 1073741824 : i32
    %broadcast_in_dim3A_51 = vector.broadcast %jit3A_50 : i32 to vector<128x3200xi32>
    %select_n3A_52 = arith.select %le3A_49, %iota3A, %broadcast_in_dim3A_51 : vector<128x3200xi1>, vector<128x3200xi32>
    %reduce_min3A_53 = arith.constant dense<2147483647> : vector<128xi32>
    %reduce_min3A_54 = vector.multi_reduction <minsi>, %select_n3A_52, %reduce_min3A_53 [1] : vector<128x3200xi32> to vector<128xi32>
    %broadcast_in_dim3A_55 = vector.shape_cast %reduce_min3A_54 : vector<128xi32> to vector<128x1xi32>
    %jit3A_56 = arith.constant 3.000000e+38 : f32
    %broadcast_in_dim3A_57 = vector.broadcast %jit3A_56 : f32 to vector<128x3200xf32>
    %select_n3A_58 = arith.select %le3A_49, %dot_general3A_19, %broadcast_in_dim3A_57 : vector<128x3200xi1>, vector<128x3200xf32>
    %reduce_min3A_59 = arith.constant dense<0x7F800000> : vector<128xf32>
    %reduce_min3A_60 = vector.multi_reduction <minimumf>, %select_n3A_58, %reduce_min3A_59 [1] : vector<128x3200xf32> to vector<128xf32>
    %broadcast_in_dim3A_61 = vector.shape_cast %reduce_min3A_60 : vector<128xf32> to vector<128x1xf32>
    %add3A_62 = arith.addf %broadcast_in_dim3A_47, %broadcast_in_dim3A_22 : vector<128x1xf32>
    %max3A_63 = arith.constant 0.000000e+00 : f32
    %max3A_64 = vector.broadcast %max3A_63 : f32 to vector<128x1xf32>
    %max3A_65 = arith.maximumf %add3A_62, %max3A_64 : vector<128x1xf32>
    %sqrt3A_66 = math.sqrt %max3A_65 : vector<128x1xf32>
    %sub3A_67 = arith.subf %broadcast_in_dim3A_61, %broadcast_in_dim3A_26 : vector<128x1xf32>
    %div3A_68 = arith.divf %sub3A_67, %sqrt3A_66 : vector<128x1xf32>
    %jit3A_69 = arith.constant 0x7F800000 : f32
    %broadcast_in_dim3A_70 = vector.broadcast %jit3A_69 : f32 to vector<128x3200xf32>
    %select_n3A_71 = arith.select %le3A_49, %broadcast_in_dim3A_70, %select_n3A_44 : vector<128x3200xi1>, vector<128x3200xf32>
    %reduce_min3A_72 = arith.constant dense<0x7F800000> : vector<128xf32>
    %reduce_min3A_73 = vector.multi_reduction <minimumf>, %select_n3A_71, %reduce_min3A_72 [1] : vector<128x3200xf32> to vector<128xf32>
    %broadcast_in_dim3A_74 = vector.shape_cast %reduce_min3A_73 : vector<128xf32> to vector<128x1xf32>
    %le3A_75 = vector.broadcast %broadcast_in_dim3A_74 : vector<128x1xf32> to vector<128x3200xf32>
    %le3A_76 = arith.cmpf ole, %select_n3A_71, %le3A_75 : vector<128x3200xf32>
    %jit3A_77 = arith.constant 1073741824 : i32
    %broadcast_in_dim3A_78 = vector.broadcast %jit3A_77 : i32 to vector<128x3200xi32>
    %select_n3A_79 = arith.select %le3A_76, %iota3A, %broadcast_in_dim3A_78 : vector<128x3200xi1>, vector<128x3200xi32>
    %reduce_min3A_80 = arith.constant dense<2147483647> : vector<128xi32>
    %reduce_min3A_81 = vector.multi_reduction <minsi>, %select_n3A_79, %reduce_min3A_80 [1] : vector<128x3200xi32> to vector<128xi32>
    %broadcast_in_dim3A_82 = vector.shape_cast %reduce_min3A_81 : vector<128xi32> to vector<128x1xi32>
    %jit3A_83 = arith.constant 3.000000e+38 : f32
    %broadcast_in_dim3A_84 = vector.broadcast %jit3A_83 : f32 to vector<128x3200xf32>
    %select_n3A_85 = arith.select %le3A_76, %dot_general3A_19, %broadcast_in_dim3A_84 : vector<128x3200xi1>, vector<128x3200xf32>
    %reduce_min3A_86 = arith.constant dense<0x7F800000> : vector<128xf32>
    %reduce_min3A_87 = vector.multi_reduction <minimumf>, %select_n3A_85, %reduce_min3A_86 [1] : vector<128x3200xf32> to vector<128xf32>
    %broadcast_in_dim3A_88 = vector.shape_cast %reduce_min3A_87 : vector<128xf32> to vector<128x1xf32>
    %add3A_89 = arith.addf %broadcast_in_dim3A_74, %broadcast_in_dim3A_22 : vector<128x1xf32>
    %max3A_90 = arith.constant 0.000000e+00 : f32
    %max3A_91 = vector.broadcast %max3A_90 : f32 to vector<128x1xf32>
    %max3A_92 = arith.maximumf %add3A_89, %max3A_91 : vector<128x1xf32>
    %sqrt3A_93 = math.sqrt %max3A_92 : vector<128x1xf32>
    %sub3A_94 = arith.subf %broadcast_in_dim3A_88, %broadcast_in_dim3A_26 : vector<128x1xf32>
    %div3A_95 = arith.divf %sub3A_94, %sqrt3A_93 : vector<128x1xf32>
    %jit3A_96 = arith.constant 0x7F800000 : f32
    %broadcast_in_dim3A_97 = vector.broadcast %jit3A_96 : f32 to vector<128x3200xf32>
    %select_n3A_98 = arith.select %le3A_76, %broadcast_in_dim3A_97, %select_n3A_71 : vector<128x3200xi1>, vector<128x3200xf32>
    %reduce_min3A_99 = arith.constant dense<0x7F800000> : vector<128xf32>
    %reduce_min3A_100 = vector.multi_reduction <minimumf>, %select_n3A_98, %reduce_min3A_99 [1] : vector<128x3200xf32> to vector<128xf32>
    %broadcast_in_dim3A_101 = vector.shape_cast %reduce_min3A_100 : vector<128xf32> to vector<128x1xf32>
    %le3A_102 = vector.broadcast %broadcast_in_dim3A_101 : vector<128x1xf32> to vector<128x3200xf32>
    %le3A_103 = arith.cmpf ole, %select_n3A_98, %le3A_102 : vector<128x3200xf32>
    %jit3A_104 = arith.constant 1073741824 : i32
    %broadcast_in_dim3A_105 = vector.broadcast %jit3A_104 : i32 to vector<128x3200xi32>
    %select_n3A_106 = arith.select %le3A_103, %iota3A, %broadcast_in_dim3A_105 : vector<128x3200xi1>, vector<128x3200xi32>
    %reduce_min3A_107 = arith.constant dense<2147483647> : vector<128xi32>
    %reduce_min3A_108 = vector.multi_reduction <minsi>, %select_n3A_106, %reduce_min3A_107 [1] : vector<128x3200xi32> to vector<128xi32>
    %broadcast_in_dim3A_109 = vector.shape_cast %reduce_min3A_108 : vector<128xi32> to vector<128x1xi32>
    %jit3A_110 = arith.constant 3.000000e+38 : f32
    %broadcast_in_dim3A_111 = vector.broadcast %jit3A_110 : f32 to vector<128x3200xf32>
    %select_n3A_112 = arith.select %le3A_103, %dot_general3A_19, %broadcast_in_dim3A_111 : vector<128x3200xi1>, vector<128x3200xf32>
    %reduce_min3A_113 = arith.constant dense<0x7F800000> : vector<128xf32>
    %reduce_min3A_114 = vector.multi_reduction <minimumf>, %select_n3A_112, %reduce_min3A_113 [1] : vector<128x3200xf32> to vector<128xf32>
    %broadcast_in_dim3A_115 = vector.shape_cast %reduce_min3A_114 : vector<128xf32> to vector<128x1xf32>
    %add3A_116 = arith.addf %broadcast_in_dim3A_101, %broadcast_in_dim3A_22 : vector<128x1xf32>
    %max3A_117 = arith.constant 0.000000e+00 : f32
    %max3A_118 = vector.broadcast %max3A_117 : f32 to vector<128x1xf32>
    %max3A_119 = arith.maximumf %add3A_116, %max3A_118 : vector<128x1xf32>
    %sqrt3A_120 = math.sqrt %max3A_119 : vector<128x1xf32>
    %sub3A_121 = arith.subf %broadcast_in_dim3A_115, %broadcast_in_dim3A_26 : vector<128x1xf32>
    %div3A_122 = arith.divf %sub3A_121, %sqrt3A_120 : vector<128x1xf32>
    %jit3A_123 = arith.constant 0x7F800000 : f32
    %broadcast_in_dim3A_124 = vector.broadcast %jit3A_123 : f32 to vector<128x3200xf32>
    %select_n3A_125 = arith.select %le3A_103, %broadcast_in_dim3A_124, %select_n3A_98 : vector<128x3200xi1>, vector<128x3200xf32>
    %reduce_min3A_126 = arith.constant dense<0x7F800000> : vector<128xf32>
    %reduce_min3A_127 = vector.multi_reduction <minimumf>, %select_n3A_125, %reduce_min3A_126 [1] : vector<128x3200xf32> to vector<128xf32>
    %broadcast_in_dim3A_128 = vector.shape_cast %reduce_min3A_127 : vector<128xf32> to vector<128x1xf32>
    %le3A_129 = vector.broadcast %broadcast_in_dim3A_128 : vector<128x1xf32> to vector<128x3200xf32>
    %le3A_130 = arith.cmpf ole, %select_n3A_125, %le3A_129 : vector<128x3200xf32>
    %jit3A_131 = arith.constant 1073741824 : i32
    %broadcast_in_dim3A_132 = vector.broadcast %jit3A_131 : i32 to vector<128x3200xi32>
    %select_n3A_133 = arith.select %le3A_130, %iota3A, %broadcast_in_dim3A_132 : vector<128x3200xi1>, vector<128x3200xi32>
    %reduce_min3A_134 = arith.constant dense<2147483647> : vector<128xi32>
    %reduce_min3A_135 = vector.multi_reduction <minsi>, %select_n3A_133, %reduce_min3A_134 [1] : vector<128x3200xi32> to vector<128xi32>
    %broadcast_in_dim3A_136 = vector.shape_cast %reduce_min3A_135 : vector<128xi32> to vector<128x1xi32>
    %jit3A_137 = arith.constant 3.000000e+38 : f32
    %broadcast_in_dim3A_138 = vector.broadcast %jit3A_137 : f32 to vector<128x3200xf32>
    %select_n3A_139 = arith.select %le3A_130, %dot_general3A_19, %broadcast_in_dim3A_138 : vector<128x3200xi1>, vector<128x3200xf32>
    %reduce_min3A_140 = arith.constant dense<0x7F800000> : vector<128xf32>
    %reduce_min3A_141 = vector.multi_reduction <minimumf>, %select_n3A_139, %reduce_min3A_140 [1] : vector<128x3200xf32> to vector<128xf32>
    %broadcast_in_dim3A_142 = vector.shape_cast %reduce_min3A_141 : vector<128xf32> to vector<128x1xf32>
    %add3A_143 = arith.addf %broadcast_in_dim3A_128, %broadcast_in_dim3A_22 : vector<128x1xf32>
    %max3A_144 = arith.constant 0.000000e+00 : f32
    %max3A_145 = vector.broadcast %max3A_144 : f32 to vector<128x1xf32>
    %max3A_146 = arith.maximumf %add3A_143, %max3A_145 : vector<128x1xf32>
    %sqrt3A_147 = math.sqrt %max3A_146 : vector<128x1xf32>
    %sub3A_148 = arith.subf %broadcast_in_dim3A_142, %broadcast_in_dim3A_26 : vector<128x1xf32>
    %div3A_149 = arith.divf %sub3A_148, %sqrt3A_147 : vector<128x1xf32>
    %jit3A_150 = arith.constant 0x7F800000 : f32
    %broadcast_in_dim3A_151 = vector.broadcast %jit3A_150 : f32 to vector<128x3200xf32>
    %select_n3A_152 = arith.select %le3A_130, %broadcast_in_dim3A_151, %select_n3A_125 : vector<128x3200xi1>, vector<128x3200xf32>
    %reduce_min3A_153 = arith.constant dense<0x7F800000> : vector<128xf32>
    %reduce_min3A_154 = vector.multi_reduction <minimumf>, %select_n3A_152, %reduce_min3A_153 [1] : vector<128x3200xf32> to vector<128xf32>
    %broadcast_in_dim3A_155 = vector.shape_cast %reduce_min3A_154 : vector<128xf32> to vector<128x1xf32>
    %le3A_156 = vector.broadcast %broadcast_in_dim3A_155 : vector<128x1xf32> to vector<128x3200xf32>
    %le3A_157 = arith.cmpf ole, %select_n3A_152, %le3A_156 : vector<128x3200xf32>
    %jit3A_158 = arith.constant 1073741824 : i32
    %broadcast_in_dim3A_159 = vector.broadcast %jit3A_158 : i32 to vector<128x3200xi32>
    %select_n3A_160 = arith.select %le3A_157, %iota3A, %broadcast_in_dim3A_159 : vector<128x3200xi1>, vector<128x3200xi32>
    %reduce_min3A_161 = arith.constant dense<2147483647> : vector<128xi32>
    %reduce_min3A_162 = vector.multi_reduction <minsi>, %select_n3A_160, %reduce_min3A_161 [1] : vector<128x3200xi32> to vector<128xi32>
    %broadcast_in_dim3A_163 = vector.shape_cast %reduce_min3A_162 : vector<128xi32> to vector<128x1xi32>
    %jit3A_164 = arith.constant 3.000000e+38 : f32
    %broadcast_in_dim3A_165 = vector.broadcast %jit3A_164 : f32 to vector<128x3200xf32>
    %select_n3A_166 = arith.select %le3A_157, %dot_general3A_19, %broadcast_in_dim3A_165 : vector<128x3200xi1>, vector<128x3200xf32>
    %reduce_min3A_167 = arith.constant dense<0x7F800000> : vector<128xf32>
    %reduce_min3A_168 = vector.multi_reduction <minimumf>, %select_n3A_166, %reduce_min3A_167 [1] : vector<128x3200xf32> to vector<128xf32>
    %broadcast_in_dim3A_169 = vector.shape_cast %reduce_min3A_168 : vector<128xf32> to vector<128x1xf32>
    %add3A_170 = arith.addf %broadcast_in_dim3A_155, %broadcast_in_dim3A_22 : vector<128x1xf32>
    %max3A_171 = arith.constant 0.000000e+00 : f32
    %max3A_172 = vector.broadcast %max3A_171 : f32 to vector<128x1xf32>
    %max3A_173 = arith.maximumf %add3A_170, %max3A_172 : vector<128x1xf32>
    %sqrt3A_174 = math.sqrt %max3A_173 : vector<128x1xf32>
    %sub3A_175 = arith.subf %broadcast_in_dim3A_169, %broadcast_in_dim3A_26 : vector<128x1xf32>
    %div3A_176 = arith.divf %sub3A_175, %sqrt3A_174 : vector<128x1xf32>
    %jit3A_177 = arith.constant 0x7F800000 : f32
    %broadcast_in_dim3A_178 = vector.broadcast %jit3A_177 : f32 to vector<128x3200xf32>
    %select_n3A_179 = arith.select %le3A_157, %broadcast_in_dim3A_178, %select_n3A_152 : vector<128x3200xi1>, vector<128x3200xf32>
    %reduce_min3A_180 = arith.constant dense<0x7F800000> : vector<128xf32>
    %reduce_min3A_181 = vector.multi_reduction <minimumf>, %select_n3A_179, %reduce_min3A_180 [1] : vector<128x3200xf32> to vector<128xf32>
    %broadcast_in_dim3A_182 = vector.shape_cast %reduce_min3A_181 : vector<128xf32> to vector<128x1xf32>
    %le3A_183 = vector.broadcast %broadcast_in_dim3A_182 : vector<128x1xf32> to vector<128x3200xf32>
    %le3A_184 = arith.cmpf ole, %select_n3A_179, %le3A_183 : vector<128x3200xf32>
    %jit3A_185 = arith.constant 1073741824 : i32
    %broadcast_in_dim3A_186 = vector.broadcast %jit3A_185 : i32 to vector<128x3200xi32>
    %select_n3A_187 = arith.select %le3A_184, %iota3A, %broadcast_in_dim3A_186 : vector<128x3200xi1>, vector<128x3200xi32>
    %reduce_min3A_188 = arith.constant dense<2147483647> : vector<128xi32>
    %reduce_min3A_189 = vector.multi_reduction <minsi>, %select_n3A_187, %reduce_min3A_188 [1] : vector<128x3200xi32> to vector<128xi32>
    %broadcast_in_dim3A_190 = vector.shape_cast %reduce_min3A_189 : vector<128xi32> to vector<128x1xi32>
    %jit3A_191 = arith.constant 3.000000e+38 : f32
    %broadcast_in_dim3A_192 = vector.broadcast %jit3A_191 : f32 to vector<128x3200xf32>
    %select_n3A_193 = arith.select %le3A_184, %dot_general3A_19, %broadcast_in_dim3A_192 : vector<128x3200xi1>, vector<128x3200xf32>
    %reduce_min3A_194 = arith.constant dense<0x7F800000> : vector<128xf32>
    %reduce_min3A_195 = vector.multi_reduction <minimumf>, %select_n3A_193, %reduce_min3A_194 [1] : vector<128x3200xf32> to vector<128xf32>
    %broadcast_in_dim3A_196 = vector.shape_cast %reduce_min3A_195 : vector<128xf32> to vector<128x1xf32>
    %add3A_197 = arith.addf %broadcast_in_dim3A_182, %broadcast_in_dim3A_22 : vector<128x1xf32>
    %max3A_198 = arith.constant 0.000000e+00 : f32
    %max3A_199 = vector.broadcast %max3A_198 : f32 to vector<128x1xf32>
    %max3A_200 = arith.maximumf %add3A_197, %max3A_199 : vector<128x1xf32>
    %sqrt3A_201 = math.sqrt %max3A_200 : vector<128x1xf32>
    %sub3A_202 = arith.subf %broadcast_in_dim3A_196, %broadcast_in_dim3A_26 : vector<128x1xf32>
    %div3A_203 = arith.divf %sub3A_202, %sqrt3A_201 : vector<128x1xf32>
    %jit3A_204 = arith.constant 0x7F800000 : f32
    %broadcast_in_dim3A_205 = vector.broadcast %jit3A_204 : f32 to vector<128x3200xf32>
    %select_n3A_206 = arith.select %le3A_184, %broadcast_in_dim3A_205, %select_n3A_179 : vector<128x3200xi1>, vector<128x3200xf32>
    %reduce_min3A_207 = arith.constant dense<0x7F800000> : vector<128xf32>
    %reduce_min3A_208 = vector.multi_reduction <minimumf>, %select_n3A_206, %reduce_min3A_207 [1] : vector<128x3200xf32> to vector<128xf32>
    %broadcast_in_dim3A_209 = vector.shape_cast %reduce_min3A_208 : vector<128xf32> to vector<128x1xf32>
    %le3A_210 = vector.broadcast %broadcast_in_dim3A_209 : vector<128x1xf32> to vector<128x3200xf32>
    %le3A_211 = arith.cmpf ole, %select_n3A_206, %le3A_210 : vector<128x3200xf32>
    %jit3A_212 = arith.constant 1073741824 : i32
    %broadcast_in_dim3A_213 = vector.broadcast %jit3A_212 : i32 to vector<128x3200xi32>
    %select_n3A_214 = arith.select %le3A_211, %iota3A, %broadcast_in_dim3A_213 : vector<128x3200xi1>, vector<128x3200xi32>
    %reduce_min3A_215 = arith.constant dense<2147483647> : vector<128xi32>
    %reduce_min3A_216 = vector.multi_reduction <minsi>, %select_n3A_214, %reduce_min3A_215 [1] : vector<128x3200xi32> to vector<128xi32>
    %broadcast_in_dim3A_217 = vector.shape_cast %reduce_min3A_216 : vector<128xi32> to vector<128x1xi32>
    %jit3A_218 = arith.constant 3.000000e+38 : f32
    %broadcast_in_dim3A_219 = vector.broadcast %jit3A_218 : f32 to vector<128x3200xf32>
    %select_n3A_220 = arith.select %le3A_211, %dot_general3A_19, %broadcast_in_dim3A_219 : vector<128x3200xi1>, vector<128x3200xf32>
    %reduce_min3A_221 = arith.constant dense<0x7F800000> : vector<128xf32>
    %reduce_min3A_222 = vector.multi_reduction <minimumf>, %select_n3A_220, %reduce_min3A_221 [1] : vector<128x3200xf32> to vector<128xf32>
    %broadcast_in_dim3A_223 = vector.shape_cast %reduce_min3A_222 : vector<128xf32> to vector<128x1xf32>
    %add3A_224 = arith.addf %broadcast_in_dim3A_209, %broadcast_in_dim3A_22 : vector<128x1xf32>
    %max3A_225 = arith.constant 0.000000e+00 : f32
    %max3A_226 = vector.broadcast %max3A_225 : f32 to vector<128x1xf32>
    %max3A_227 = arith.maximumf %add3A_224, %max3A_226 : vector<128x1xf32>
    %sqrt3A_228 = math.sqrt %max3A_227 : vector<128x1xf32>
    %sub3A_229 = arith.subf %broadcast_in_dim3A_223, %broadcast_in_dim3A_26 : vector<128x1xf32>
    %div3A_230 = arith.divf %sub3A_229, %sqrt3A_228 : vector<128x1xf32>
    %jit3A_231 = arith.constant 0x7F800000 : f32
    %broadcast_in_dim3A_232 = vector.broadcast %jit3A_231 : f32 to vector<128x3200xf32>
    %select_n3A_233 = arith.select %le3A_211, %broadcast_in_dim3A_232, %select_n3A_206 : vector<128x3200xi1>, vector<128x3200xf32>
    %reduce_min3A_234 = arith.constant dense<0x7F800000> : vector<128xf32>
    %reduce_min3A_235 = vector.multi_reduction <minimumf>, %select_n3A_233, %reduce_min3A_234 [1] : vector<128x3200xf32> to vector<128xf32>
    %broadcast_in_dim3A_236 = vector.shape_cast %reduce_min3A_235 : vector<128xf32> to vector<128x1xf32>
    %le3A_237 = vector.broadcast %broadcast_in_dim3A_236 : vector<128x1xf32> to vector<128x3200xf32>
    %le3A_238 = arith.cmpf ole, %select_n3A_233, %le3A_237 : vector<128x3200xf32>
    %jit3A_239 = arith.constant 1073741824 : i32
    %broadcast_in_dim3A_240 = vector.broadcast %jit3A_239 : i32 to vector<128x3200xi32>
    %select_n3A_241 = arith.select %le3A_238, %iota3A, %broadcast_in_dim3A_240 : vector<128x3200xi1>, vector<128x3200xi32>
    %reduce_min3A_242 = arith.constant dense<2147483647> : vector<128xi32>
    %reduce_min3A_243 = vector.multi_reduction <minsi>, %select_n3A_241, %reduce_min3A_242 [1] : vector<128x3200xi32> to vector<128xi32>
    %broadcast_in_dim3A_244 = vector.shape_cast %reduce_min3A_243 : vector<128xi32> to vector<128x1xi32>
    %jit3A_245 = arith.constant 3.000000e+38 : f32
    %broadcast_in_dim3A_246 = vector.broadcast %jit3A_245 : f32 to vector<128x3200xf32>
    %select_n3A_247 = arith.select %le3A_238, %dot_general3A_19, %broadcast_in_dim3A_246 : vector<128x3200xi1>, vector<128x3200xf32>
    %reduce_min3A_248 = arith.constant dense<0x7F800000> : vector<128xf32>
    %reduce_min3A_249 = vector.multi_reduction <minimumf>, %select_n3A_247, %reduce_min3A_248 [1] : vector<128x3200xf32> to vector<128xf32>
    %broadcast_in_dim3A_250 = vector.shape_cast %reduce_min3A_249 : vector<128xf32> to vector<128x1xf32>
    %add3A_251 = arith.addf %broadcast_in_dim3A_236, %broadcast_in_dim3A_22 : vector<128x1xf32>
    %max3A_252 = arith.constant 0.000000e+00 : f32
    %max3A_253 = vector.broadcast %max3A_252 : f32 to vector<128x1xf32>
    %max3A_254 = arith.maximumf %add3A_251, %max3A_253 : vector<128x1xf32>
    %sqrt3A_255 = math.sqrt %max3A_254 : vector<128x1xf32>
    %sub3A_256 = arith.subf %broadcast_in_dim3A_250, %broadcast_in_dim3A_26 : vector<128x1xf32>
    %div3A_257 = arith.divf %sub3A_256, %sqrt3A_255 : vector<128x1xf32>
    %jit3A_258 = arith.constant 0x7F800000 : f32
    %broadcast_in_dim3A_259 = vector.broadcast %jit3A_258 : f32 to vector<128x3200xf32>
    %select_n3A_260 = arith.select %le3A_238, %broadcast_in_dim3A_259, %select_n3A_233 : vector<128x3200xi1>, vector<128x3200xf32>
    %reduce_min3A_261 = arith.constant dense<0x7F800000> : vector<128xf32>
    %reduce_min3A_262 = vector.multi_reduction <minimumf>, %select_n3A_260, %reduce_min3A_261 [1] : vector<128x3200xf32> to vector<128xf32>
    %broadcast_in_dim3A_263 = vector.shape_cast %reduce_min3A_262 : vector<128xf32> to vector<128x1xf32>
    %le3A_264 = vector.broadcast %broadcast_in_dim3A_263 : vector<128x1xf32> to vector<128x3200xf32>
    %le3A_265 = arith.cmpf ole, %select_n3A_260, %le3A_264 : vector<128x3200xf32>
    %jit3A_266 = arith.constant 1073741824 : i32
    %broadcast_in_dim3A_267 = vector.broadcast %jit3A_266 : i32 to vector<128x3200xi32>
    %select_n3A_268 = arith.select %le3A_265, %iota3A, %broadcast_in_dim3A_267 : vector<128x3200xi1>, vector<128x3200xi32>
    %reduce_min3A_269 = arith.constant dense<2147483647> : vector<128xi32>
    %reduce_min3A_270 = vector.multi_reduction <minsi>, %select_n3A_268, %reduce_min3A_269 [1] : vector<128x3200xi32> to vector<128xi32>
    %broadcast_in_dim3A_271 = vector.shape_cast %reduce_min3A_270 : vector<128xi32> to vector<128x1xi32>
    %jit3A_272 = arith.constant 3.000000e+38 : f32
    %broadcast_in_dim3A_273 = vector.broadcast %jit3A_272 : f32 to vector<128x3200xf32>
    %select_n3A_274 = arith.select %le3A_265, %dot_general3A_19, %broadcast_in_dim3A_273 : vector<128x3200xi1>, vector<128x3200xf32>
    %reduce_min3A_275 = arith.constant dense<0x7F800000> : vector<128xf32>
    %reduce_min3A_276 = vector.multi_reduction <minimumf>, %select_n3A_274, %reduce_min3A_275 [1] : vector<128x3200xf32> to vector<128xf32>
    %broadcast_in_dim3A_277 = vector.shape_cast %reduce_min3A_276 : vector<128xf32> to vector<128x1xf32>
    %add3A_278 = arith.addf %broadcast_in_dim3A_263, %broadcast_in_dim3A_22 : vector<128x1xf32>
    %max3A_279 = arith.constant 0.000000e+00 : f32
    %max3A_280 = vector.broadcast %max3A_279 : f32 to vector<128x1xf32>
    %max3A_281 = arith.maximumf %add3A_278, %max3A_280 : vector<128x1xf32>
    %sqrt3A_282 = math.sqrt %max3A_281 : vector<128x1xf32>
    %sub3A_283 = arith.subf %broadcast_in_dim3A_277, %broadcast_in_dim3A_26 : vector<128x1xf32>
    %div3A_284 = arith.divf %sub3A_283, %sqrt3A_282 : vector<128x1xf32>
    %jit3A_285 = arith.constant 0x7F800000 : f32
    %broadcast_in_dim3A_286 = vector.broadcast %jit3A_285 : f32 to vector<128x3200xf32>
    %select_n3A_287 = arith.select %le3A_265, %broadcast_in_dim3A_286, %select_n3A_260 : vector<128x3200xi1>, vector<128x3200xf32>
    %reduce_min3A_288 = arith.constant dense<0x7F800000> : vector<128xf32>
    %reduce_min3A_289 = vector.multi_reduction <minimumf>, %select_n3A_287, %reduce_min3A_288 [1] : vector<128x3200xf32> to vector<128xf32>
    %broadcast_in_dim3A_290 = vector.shape_cast %reduce_min3A_289 : vector<128xf32> to vector<128x1xf32>
    %le3A_291 = vector.broadcast %broadcast_in_dim3A_290 : vector<128x1xf32> to vector<128x3200xf32>
    %le3A_292 = arith.cmpf ole, %select_n3A_287, %le3A_291 : vector<128x3200xf32>
    %jit3A_293 = arith.constant 1073741824 : i32
    %broadcast_in_dim3A_294 = vector.broadcast %jit3A_293 : i32 to vector<128x3200xi32>
    %select_n3A_295 = arith.select %le3A_292, %iota3A, %broadcast_in_dim3A_294 : vector<128x3200xi1>, vector<128x3200xi32>
    %reduce_min3A_296 = arith.constant dense<2147483647> : vector<128xi32>
    %reduce_min3A_297 = vector.multi_reduction <minsi>, %select_n3A_295, %reduce_min3A_296 [1] : vector<128x3200xi32> to vector<128xi32>
    %broadcast_in_dim3A_298 = vector.shape_cast %reduce_min3A_297 : vector<128xi32> to vector<128x1xi32>
    %jit3A_299 = arith.constant 3.000000e+38 : f32
    %broadcast_in_dim3A_300 = vector.broadcast %jit3A_299 : f32 to vector<128x3200xf32>
    %select_n3A_301 = arith.select %le3A_292, %dot_general3A_19, %broadcast_in_dim3A_300 : vector<128x3200xi1>, vector<128x3200xf32>
    %reduce_min3A_302 = arith.constant dense<0x7F800000> : vector<128xf32>
    %reduce_min3A_303 = vector.multi_reduction <minimumf>, %select_n3A_301, %reduce_min3A_302 [1] : vector<128x3200xf32> to vector<128xf32>
    %broadcast_in_dim3A_304 = vector.shape_cast %reduce_min3A_303 : vector<128xf32> to vector<128x1xf32>
    %add3A_305 = arith.addf %broadcast_in_dim3A_290, %broadcast_in_dim3A_22 : vector<128x1xf32>
    %max3A_306 = arith.constant 0.000000e+00 : f32
    %max3A_307 = vector.broadcast %max3A_306 : f32 to vector<128x1xf32>
    %max3A_308 = arith.maximumf %add3A_305, %max3A_307 : vector<128x1xf32>
    %sqrt3A_309 = math.sqrt %max3A_308 : vector<128x1xf32>
    %sub3A_310 = arith.subf %broadcast_in_dim3A_304, %broadcast_in_dim3A_26 : vector<128x1xf32>
    %div3A_311 = arith.divf %sub3A_310, %sqrt3A_309 : vector<128x1xf32>
    %jit3A_312 = arith.constant 0x7F800000 : f32
    %broadcast_in_dim3A_313 = vector.broadcast %jit3A_312 : f32 to vector<128x3200xf32>
    %select_n3A_314 = arith.select %le3A_292, %broadcast_in_dim3A_313, %select_n3A_287 : vector<128x3200xi1>, vector<128x3200xf32>
    %reduce_min3A_315 = arith.constant dense<0x7F800000> : vector<128xf32>
    %reduce_min3A_316 = vector.multi_reduction <minimumf>, %select_n3A_314, %reduce_min3A_315 [1] : vector<128x3200xf32> to vector<128xf32>
    %broadcast_in_dim3A_317 = vector.shape_cast %reduce_min3A_316 : vector<128xf32> to vector<128x1xf32>
    %le3A_318 = vector.broadcast %broadcast_in_dim3A_317 : vector<128x1xf32> to vector<128x3200xf32>
    %le3A_319 = arith.cmpf ole, %select_n3A_314, %le3A_318 : vector<128x3200xf32>
    %jit3A_320 = arith.constant 1073741824 : i32
    %broadcast_in_dim3A_321 = vector.broadcast %jit3A_320 : i32 to vector<128x3200xi32>
    %select_n3A_322 = arith.select %le3A_319, %iota3A, %broadcast_in_dim3A_321 : vector<128x3200xi1>, vector<128x3200xi32>
    %reduce_min3A_323 = arith.constant dense<2147483647> : vector<128xi32>
    %reduce_min3A_324 = vector.multi_reduction <minsi>, %select_n3A_322, %reduce_min3A_323 [1] : vector<128x3200xi32> to vector<128xi32>
    %broadcast_in_dim3A_325 = vector.shape_cast %reduce_min3A_324 : vector<128xi32> to vector<128x1xi32>
    %jit3A_326 = arith.constant 3.000000e+38 : f32
    %broadcast_in_dim3A_327 = vector.broadcast %jit3A_326 : f32 to vector<128x3200xf32>
    %select_n3A_328 = arith.select %le3A_319, %dot_general3A_19, %broadcast_in_dim3A_327 : vector<128x3200xi1>, vector<128x3200xf32>
    %reduce_min3A_329 = arith.constant dense<0x7F800000> : vector<128xf32>
    %reduce_min3A_330 = vector.multi_reduction <minimumf>, %select_n3A_328, %reduce_min3A_329 [1] : vector<128x3200xf32> to vector<128xf32>
    %broadcast_in_dim3A_331 = vector.shape_cast %reduce_min3A_330 : vector<128xf32> to vector<128x1xf32>
    %add3A_332 = arith.addf %broadcast_in_dim3A_317, %broadcast_in_dim3A_22 : vector<128x1xf32>
    %max3A_333 = arith.constant 0.000000e+00 : f32
    %max3A_334 = vector.broadcast %max3A_333 : f32 to vector<128x1xf32>
    %max3A_335 = arith.maximumf %add3A_332, %max3A_334 : vector<128x1xf32>
    %sqrt3A_336 = math.sqrt %max3A_335 : vector<128x1xf32>
    %sub3A_337 = arith.subf %broadcast_in_dim3A_331, %broadcast_in_dim3A_26 : vector<128x1xf32>
    %div3A_338 = arith.divf %sub3A_337, %sqrt3A_336 : vector<128x1xf32>
    %jit3A_339 = arith.constant 0x7F800000 : f32
    %broadcast_in_dim3A_340 = vector.broadcast %jit3A_339 : f32 to vector<128x3200xf32>
    %select_n3A_341 = arith.select %le3A_319, %broadcast_in_dim3A_340, %select_n3A_314 : vector<128x3200xi1>, vector<128x3200xf32>
    %reduce_min3A_342 = arith.constant dense<0x7F800000> : vector<128xf32>
    %reduce_min3A_343 = vector.multi_reduction <minimumf>, %select_n3A_341, %reduce_min3A_342 [1] : vector<128x3200xf32> to vector<128xf32>
    %broadcast_in_dim3A_344 = vector.shape_cast %reduce_min3A_343 : vector<128xf32> to vector<128x1xf32>
    %le3A_345 = vector.broadcast %broadcast_in_dim3A_344 : vector<128x1xf32> to vector<128x3200xf32>
    %le3A_346 = arith.cmpf ole, %select_n3A_341, %le3A_345 : vector<128x3200xf32>
    %jit3A_347 = arith.constant 1073741824 : i32
    %broadcast_in_dim3A_348 = vector.broadcast %jit3A_347 : i32 to vector<128x3200xi32>
    %select_n3A_349 = arith.select %le3A_346, %iota3A, %broadcast_in_dim3A_348 : vector<128x3200xi1>, vector<128x3200xi32>
    %reduce_min3A_350 = arith.constant dense<2147483647> : vector<128xi32>
    %reduce_min3A_351 = vector.multi_reduction <minsi>, %select_n3A_349, %reduce_min3A_350 [1] : vector<128x3200xi32> to vector<128xi32>
    %broadcast_in_dim3A_352 = vector.shape_cast %reduce_min3A_351 : vector<128xi32> to vector<128x1xi32>
    %jit3A_353 = arith.constant 3.000000e+38 : f32
    %broadcast_in_dim3A_354 = vector.broadcast %jit3A_353 : f32 to vector<128x3200xf32>
    %select_n3A_355 = arith.select %le3A_346, %dot_general3A_19, %broadcast_in_dim3A_354 : vector<128x3200xi1>, vector<128x3200xf32>
    %reduce_min3A_356 = arith.constant dense<0x7F800000> : vector<128xf32>
    %reduce_min3A_357 = vector.multi_reduction <minimumf>, %select_n3A_355, %reduce_min3A_356 [1] : vector<128x3200xf32> to vector<128xf32>
    %broadcast_in_dim3A_358 = vector.shape_cast %reduce_min3A_357 : vector<128xf32> to vector<128x1xf32>
    %add3A_359 = arith.addf %broadcast_in_dim3A_344, %broadcast_in_dim3A_22 : vector<128x1xf32>
    %max3A_360 = arith.constant 0.000000e+00 : f32
    %max3A_361 = vector.broadcast %max3A_360 : f32 to vector<128x1xf32>
    %max3A_362 = arith.maximumf %add3A_359, %max3A_361 : vector<128x1xf32>
    %sqrt3A_363 = math.sqrt %max3A_362 : vector<128x1xf32>
    %sub3A_364 = arith.subf %broadcast_in_dim3A_358, %broadcast_in_dim3A_26 : vector<128x1xf32>
    %div3A_365 = arith.divf %sub3A_364, %sqrt3A_363 : vector<128x1xf32>
    %jit3A_366 = arith.constant 0x7F800000 : f32
    %broadcast_in_dim3A_367 = vector.broadcast %jit3A_366 : f32 to vector<128x3200xf32>
    %select_n3A_368 = arith.select %le3A_346, %broadcast_in_dim3A_367, %select_n3A_341 : vector<128x3200xi1>, vector<128x3200xf32>
    %reduce_min3A_369 = arith.constant dense<0x7F800000> : vector<128xf32>
    %reduce_min3A_370 = vector.multi_reduction <minimumf>, %select_n3A_368, %reduce_min3A_369 [1] : vector<128x3200xf32> to vector<128xf32>
    %broadcast_in_dim3A_371 = vector.shape_cast %reduce_min3A_370 : vector<128xf32> to vector<128x1xf32>
    %le3A_372 = vector.broadcast %broadcast_in_dim3A_371 : vector<128x1xf32> to vector<128x3200xf32>
    %le3A_373 = arith.cmpf ole, %select_n3A_368, %le3A_372 : vector<128x3200xf32>
    %jit3A_374 = arith.constant 1073741824 : i32
    %broadcast_in_dim3A_375 = vector.broadcast %jit3A_374 : i32 to vector<128x3200xi32>
    %select_n3A_376 = arith.select %le3A_373, %iota3A, %broadcast_in_dim3A_375 : vector<128x3200xi1>, vector<128x3200xi32>
    %reduce_min3A_377 = arith.constant dense<2147483647> : vector<128xi32>
    %reduce_min3A_378 = vector.multi_reduction <minsi>, %select_n3A_376, %reduce_min3A_377 [1] : vector<128x3200xi32> to vector<128xi32>
    %broadcast_in_dim3A_379 = vector.shape_cast %reduce_min3A_378 : vector<128xi32> to vector<128x1xi32>
    %jit3A_380 = arith.constant 3.000000e+38 : f32
    %broadcast_in_dim3A_381 = vector.broadcast %jit3A_380 : f32 to vector<128x3200xf32>
    %select_n3A_382 = arith.select %le3A_373, %dot_general3A_19, %broadcast_in_dim3A_381 : vector<128x3200xi1>, vector<128x3200xf32>
    %reduce_min3A_383 = arith.constant dense<0x7F800000> : vector<128xf32>
    %reduce_min3A_384 = vector.multi_reduction <minimumf>, %select_n3A_382, %reduce_min3A_383 [1] : vector<128x3200xf32> to vector<128xf32>
    %broadcast_in_dim3A_385 = vector.shape_cast %reduce_min3A_384 : vector<128xf32> to vector<128x1xf32>
    %add3A_386 = arith.addf %broadcast_in_dim3A_371, %broadcast_in_dim3A_22 : vector<128x1xf32>
    %max3A_387 = arith.constant 0.000000e+00 : f32
    %max3A_388 = vector.broadcast %max3A_387 : f32 to vector<128x1xf32>
    %max3A_389 = arith.maximumf %add3A_386, %max3A_388 : vector<128x1xf32>
    %sqrt3A_390 = math.sqrt %max3A_389 : vector<128x1xf32>
    %sub3A_391 = arith.subf %broadcast_in_dim3A_385, %broadcast_in_dim3A_26 : vector<128x1xf32>
    %div3A_392 = arith.divf %sub3A_391, %sqrt3A_390 : vector<128x1xf32>
    %jit3A_393 = arith.constant 0x7F800000 : f32
    %broadcast_in_dim3A_394 = vector.broadcast %jit3A_393 : f32 to vector<128x3200xf32>
    %select_n3A_395 = arith.select %le3A_373, %broadcast_in_dim3A_394, %select_n3A_368 : vector<128x3200xi1>, vector<128x3200xf32>
    %reduce_min3A_396 = arith.constant dense<0x7F800000> : vector<128xf32>
    %reduce_min3A_397 = vector.multi_reduction <minimumf>, %select_n3A_395, %reduce_min3A_396 [1] : vector<128x3200xf32> to vector<128xf32>
    %broadcast_in_dim3A_398 = vector.shape_cast %reduce_min3A_397 : vector<128xf32> to vector<128x1xf32>
    %le3A_399 = vector.broadcast %broadcast_in_dim3A_398 : vector<128x1xf32> to vector<128x3200xf32>
    %le3A_400 = arith.cmpf ole, %select_n3A_395, %le3A_399 : vector<128x3200xf32>
    %jit3A_401 = arith.constant 1073741824 : i32
    %broadcast_in_dim3A_402 = vector.broadcast %jit3A_401 : i32 to vector<128x3200xi32>
    %select_n3A_403 = arith.select %le3A_400, %iota3A, %broadcast_in_dim3A_402 : vector<128x3200xi1>, vector<128x3200xi32>
    %reduce_min3A_404 = arith.constant dense<2147483647> : vector<128xi32>
    %reduce_min3A_405 = vector.multi_reduction <minsi>, %select_n3A_403, %reduce_min3A_404 [1] : vector<128x3200xi32> to vector<128xi32>
    %broadcast_in_dim3A_406 = vector.shape_cast %reduce_min3A_405 : vector<128xi32> to vector<128x1xi32>
    %jit3A_407 = arith.constant 3.000000e+38 : f32
    %broadcast_in_dim3A_408 = vector.broadcast %jit3A_407 : f32 to vector<128x3200xf32>
    %select_n3A_409 = arith.select %le3A_400, %dot_general3A_19, %broadcast_in_dim3A_408 : vector<128x3200xi1>, vector<128x3200xf32>
    %reduce_min3A_410 = arith.constant dense<0x7F800000> : vector<128xf32>
    %reduce_min3A_411 = vector.multi_reduction <minimumf>, %select_n3A_409, %reduce_min3A_410 [1] : vector<128x3200xf32> to vector<128xf32>
    %broadcast_in_dim3A_412 = vector.shape_cast %reduce_min3A_411 : vector<128xf32> to vector<128x1xf32>
    %add3A_413 = arith.addf %broadcast_in_dim3A_398, %broadcast_in_dim3A_22 : vector<128x1xf32>
    %max3A_414 = arith.constant 0.000000e+00 : f32
    %max3A_415 = vector.broadcast %max3A_414 : f32 to vector<128x1xf32>
    %max3A_416 = arith.maximumf %add3A_413, %max3A_415 : vector<128x1xf32>
    %sqrt3A_417 = math.sqrt %max3A_416 : vector<128x1xf32>
    %sub3A_418 = arith.subf %broadcast_in_dim3A_412, %broadcast_in_dim3A_26 : vector<128x1xf32>
    %div3A_419 = arith.divf %sub3A_418, %sqrt3A_417 : vector<128x1xf32>
    %jit3A_420 = arith.constant 0x7F800000 : f32
    %broadcast_in_dim3A_421 = vector.broadcast %jit3A_420 : f32 to vector<128x3200xf32>
    %select_n3A_422 = arith.select %le3A_400, %broadcast_in_dim3A_421, %select_n3A_395 : vector<128x3200xi1>, vector<128x3200xf32>
    %reduce_min3A_423 = arith.constant dense<0x7F800000> : vector<128xf32>
    %reduce_min3A_424 = vector.multi_reduction <minimumf>, %select_n3A_422, %reduce_min3A_423 [1] : vector<128x3200xf32> to vector<128xf32>
    %broadcast_in_dim3A_425 = vector.shape_cast %reduce_min3A_424 : vector<128xf32> to vector<128x1xf32>
    %le3A_426 = vector.broadcast %broadcast_in_dim3A_425 : vector<128x1xf32> to vector<128x3200xf32>
    %le3A_427 = arith.cmpf ole, %select_n3A_422, %le3A_426 : vector<128x3200xf32>
    %jit3A_428 = arith.constant 1073741824 : i32
    %broadcast_in_dim3A_429 = vector.broadcast %jit3A_428 : i32 to vector<128x3200xi32>
    %select_n3A_430 = arith.select %le3A_427, %iota3A, %broadcast_in_dim3A_429 : vector<128x3200xi1>, vector<128x3200xi32>
    %reduce_min3A_431 = arith.constant dense<2147483647> : vector<128xi32>
    %reduce_min3A_432 = vector.multi_reduction <minsi>, %select_n3A_430, %reduce_min3A_431 [1] : vector<128x3200xi32> to vector<128xi32>
    %broadcast_in_dim3A_433 = vector.shape_cast %reduce_min3A_432 : vector<128xi32> to vector<128x1xi32>
    %jit3A_434 = arith.constant 3.000000e+38 : f32
    %broadcast_in_dim3A_435 = vector.broadcast %jit3A_434 : f32 to vector<128x3200xf32>
    %select_n3A_436 = arith.select %le3A_427, %dot_general3A_19, %broadcast_in_dim3A_435 : vector<128x3200xi1>, vector<128x3200xf32>
    %reduce_min3A_437 = arith.constant dense<0x7F800000> : vector<128xf32>
    %reduce_min3A_438 = vector.multi_reduction <minimumf>, %select_n3A_436, %reduce_min3A_437 [1] : vector<128x3200xf32> to vector<128xf32>
    %broadcast_in_dim3A_439 = vector.shape_cast %reduce_min3A_438 : vector<128xf32> to vector<128x1xf32>
    %add3A_440 = arith.addf %broadcast_in_dim3A_425, %broadcast_in_dim3A_22 : vector<128x1xf32>
    %max3A_441 = arith.constant 0.000000e+00 : f32
    %max3A_442 = vector.broadcast %max3A_441 : f32 to vector<128x1xf32>
    %max3A_443 = arith.maximumf %add3A_440, %max3A_442 : vector<128x1xf32>
    %sqrt3A_444 = math.sqrt %max3A_443 : vector<128x1xf32>
    %sub3A_445 = arith.subf %broadcast_in_dim3A_439, %broadcast_in_dim3A_26 : vector<128x1xf32>
    %div3A_446 = arith.divf %sub3A_445, %sqrt3A_444 : vector<128x1xf32>
    %concatenate3A_447 = tpu.concatenate %broadcast_in_dim3A_33, %broadcast_in_dim3A_55, %broadcast_in_dim3A_82, %broadcast_in_dim3A_109, %broadcast_in_dim3A_136, %broadcast_in_dim3A_163, %broadcast_in_dim3A_190, %broadcast_in_dim3A_217, %broadcast_in_dim3A_244, %broadcast_in_dim3A_271, %broadcast_in_dim3A_298, %broadcast_in_dim3A_325, %broadcast_in_dim3A_352, %broadcast_in_dim3A_379, %broadcast_in_dim3A_406, %broadcast_in_dim3A_433 in 1 : vector<128x1xi32>, vector<128x1xi32>, vector<128x1xi32>, vector<128x1xi32>, vector<128x1xi32>, vector<128x1xi32>, vector<128x1xi32>, vector<128x1xi32>, vector<128x1xi32>, vector<128x1xi32>, vector<128x1xi32>, vector<128x1xi32>, vector<128x1xi32>, vector<128x1xi32>, vector<128x1xi32>, vector<128x1xi32> -> vector<128x16xi32>
    %swap3A = arith.constant 0 : index
    %swap3A_448 = arith.constant 0 : index
    %swap3A_449 = arith.constant 0 : index
    %swap3A_450 = vector.load %arg5[%swap3A, %swap3A_448, %swap3A_449] : memref<1x128x16xi32, #tpu.memory_space<vmem>>, vector<1x128x16xi32>
    %swap3A_451 = vector.shape_cast %swap3A_450 : vector<1x128x16xi32> to vector<128x16xi32>
    %swap3A_452 = vector.shape_cast %concatenate3A_447 : vector<128x16xi32> to vector<1x128x16xi32>
    tpu.vector_store %arg5[%swap3A, %swap3A_448, %swap3A_449], %swap3A_452 {strides = array<i32>} : memref<1x128x16xi32, #tpu.memory_space<vmem>>, vector<1x128x16xi32>,
    %concatenate3A_453 = tpu.concatenate %sqrt3A, %sqrt3A_66, %sqrt3A_93, %sqrt3A_120, %sqrt3A_147, %sqrt3A_174, %sqrt3A_201, %sqrt3A_228, %sqrt3A_255, %sqrt3A_282, %sqrt3A_309, %sqrt3A_336, %sqrt3A_363, %sqrt3A_390, %sqrt3A_417, %sqrt3A_444 in 1 : vector<128x1xf32>, vector<128x1xf32>, vector<128x1xf32>, vector<128x1xf32>, vector<128x1xf32>, vector<128x1xf32>, vector<128x1xf32>, vector<128x1xf32>, vector<128x1xf32>, vector<128x1xf32>, vector<128x1xf32>, vector<128x1xf32>, vector<128x1xf32>, vector<128x1xf32>, vector<128x1xf32>, vector<128x1xf32> -> vector<128x16xf32>
    %swap3A_454 = arith.constant 0 : index
    %swap3A_455 = arith.constant 0 : index
    %swap3A_456 = arith.constant 0 : index
    %swap3A_457 = vector.load %arg6[%swap3A_454, %swap3A_455, %swap3A_456] : memref<1x128x16xf32, #tpu.memory_space<vmem>>, vector<1x128x16xf32>
    %swap3A_458 = vector.shape_cast %swap3A_457 : vector<1x128x16xf32> to vector<128x16xf32>
    %swap3A_459 = vector.shape_cast %concatenate3A_453 : vector<128x16xf32> to vector<1x128x16xf32>
    tpu.vector_store %arg6[%swap3A_454, %swap3A_455, %swap3A_456], %swap3A_459 {strides = array<i32>} : memref<1x128x16xf32, #tpu.memory_space<vmem>>, vector<1x128x16xf32>,
    %concatenate3A_460 = tpu.concatenate %div3A, %div3A_68, %div3A_95, %div3A_122, %div3A_149, %div3A_176, %div3A_203, %div3A_230, %div3A_257, %div3A_284, %div3A_311, %div3A_338, %div3A_365, %div3A_392, %div3A_419, %div3A_446 in 1 : vector<128x1xf32>, vector<128x1xf32>, vector<128x1xf32>, vector<128x1xf32>, vector<128x1xf32>, vector<128x1xf32>, vector<128x1xf32>, vector<128x1xf32>, vector<128x1xf32>, vector<128x1xf32>, vector<128x1xf32>, vector<128x1xf32>, vector<128x1xf32>, vector<128x1xf32>, vector<128x1xf32>, vector<128x1xf32> -> vector<128x16xf32>
    %swap3A_461 = arith.constant 0 : index
    %swap3A_462 = arith.constant 0 : index
    %swap3A_463 = arith.constant 0 : index
    %swap3A_464 = vector.load %arg7[%swap3A_461, %swap3A_462, %swap3A_463] : memref<1x128x16xf32, #tpu.memory_space<vmem>>, vector<1x128x16xf32>
    %swap3A_465 = vector.shape_cast %swap3A_464 : vector<1x128x16xf32> to vector<128x16xf32>
    %swap3A_466 = vector.shape_cast %concatenate3A_460 : vector<128x16xf32> to vector<1x128x16xf32>
    tpu.vector_store %arg7[%swap3A_461, %swap3A_462, %swap3A_463], %swap3A_466 {strides = array<i32>} : memref<1x128x16xf32, #tpu.memory_space<vmem>>, vector<1x128x16xf32>,
    return
  }
  func.func @transform_0(%arg0: i32, %arg1: i32) -> (i32, i32, i32) {
    %c0_i32 = arith.constant 0 : i32
    %c0_i32_0 = arith.constant 0 : i32
    return %arg0, %arg1, %c0_i32 : i32, i32, i32
  }
  func.func @transform_1(%arg0: i32, %arg1: i32) -> (i32, i32, i32) {
    %c0_i32 = arith.constant 0 : i32
    %c0_i32_0 = arith.constant 0 : i32
    return %arg0, %arg1, %c0_i32 : i32, i32, i32
  }
  func.func @transform_2(%arg0: i32, %arg1: i32) -> (i32, i32, i32) {
    %c0_i32 = arith.constant 0 : i32
    %c0_i32_0 = arith.constant 0 : i32
    %c0_i32_1 = arith.constant 0 : i32
    return %arg0, %c0_i32, %c0_i32_0 : i32, i32, i32
  }
  func.func @transform_3(%arg0: i32, %arg1: i32) -> (i32, i32, i32) {
    %c0_i32 = arith.constant 0 : i32
    %c0_i32_0 = arith.constant 0 : i32
    return %arg0, %arg1, %c0_i32 : i32, i32, i32
  }
  func.func @transform_4(%arg0: i32, %arg1: i32) -> (i32, i32, i32) {
    %c0_i32 = arith.constant 0 : i32
    %c0_i32_0 = arith.constant 0 : i32
    return %arg0, %arg1, %c0_i32 : i32, i32, i32
  }
  func.func @transform_5(%arg0: i32, %arg1: i32) -> (i32, i32, i32) {
    %c0_i32 = arith.constant 0 : i32
    %c0_i32_0 = arith.constant 0 : i32
    return %arg0, %arg1, %c0_i32 : i32, i32, i32
  }
}

module attributes {stable_mosaic.version = 14 : i64} {
  func.func @_lin_body(%arg0: i32, %arg1: memref<2000x30xf32, #tpu.memory_space<vmem>>, %arg2: memref<30x128xf32, #tpu.memory_space<vmem>>, %arg3: memref<1x128xf32, #tpu.memory_space<vmem>>, %arg4: memref<2000x128xf32, #tpu.memory_space<vmem>>, %arg5: memref<2x128xf32, #tpu.memory_space<vmem>>) attributes {dimension_semantics = [#tpu.dimension_semantics<arbitrary>], iteration_bounds = array<i64: 25>, scalar_prefetch = 0 : i64, scratch_operands = 0 : i64, tpu.core_type = #tpu.core_type<tc>, window_params = [{transform_indices = @transform_0, window_bounds = array<i64: 2000, 30>}, {pipeline_mode = #tpu.pipeline_mode<synchronous>, transform_indices = @transform_1, window_bounds = array<i64: 30, 128>}, {pipeline_mode = #tpu.pipeline_mode<synchronous>, transform_indices = @transform_2, window_bounds = array<i64: 1, 128>}, {transform_indices = @transform_3, window_bounds = array<i64: 2000, 128>}, {pipeline_mode = #tpu.pipeline_mode<synchronous>, transform_indices = @transform_4, window_bounds = array<i64: 2, 128>}]} {
    %get3A = arith.constant 0 : index
    %get3A_0 = arith.constant 0 : index
    %get3A_1 = vector.load %arg1[%get3A, %get3A_0] : memref<2000x30xf32, #tpu.memory_space<vmem>>, vector<2000x30xf32>
    %get3A_2 = arith.constant 0 : index
    %get3A_3 = arith.constant 0 : index
    %get3A_4 = vector.load %arg2[%get3A_2, %get3A_3] : memref<30x128xf32, #tpu.memory_space<vmem>>, vector<30x128xf32>
    %dot_general3A = arith.constant dense<0.000000e+00> : vector<2000x128xf32>
    %dot_general3A_5 = tpu.matmul %get3A_1, %get3A_4, %dot_general3A {dimension_numbers = #tpu.dot_dimension_numbers<[1], [0], [0], [1], [0, 0, 1, 1], [], []>, transpose_lhs_hint = false} : vector<2000x30xf32>, vector<30x128xf32>, vector<2000x128xf32> -> vector<2000x128xf32>
    %get3A_6 = arith.constant 0 : index
    %get3A_7 = arith.constant 0 : index
    %get3A_8 = vector.load %arg3[%get3A_6, %get3A_7] : memref<1x128xf32, #tpu.memory_space<vmem>>, vector<1x128xf32>
    %add3A = vector.broadcast %get3A_8 : vector<1x128xf32> to vector<2000x128xf32>
    %add3A_9 = arith.addf %dot_general3A_5, %add3A : vector<2000x128xf32>
    %swap3A = arith.constant 0 : index
    %swap3A_10 = arith.constant 0 : index
    %swap3A_11 = vector.load %arg4[%swap3A, %swap3A_10] : memref<2000x128xf32, #tpu.memory_space<vmem>>, vector<2000x128xf32>
    tpu.vector_store %arg4[%swap3A, %swap3A_10], %add3A_9 {strides = array<i32>} : memref<2000x128xf32, #tpu.memory_space<vmem>>, vector<2000x128xf32>,
    %eq3A = arith.constant 0 : i32
    %eq3A_12 = arith.cmpi eq, %arg0, %eq3A : i32
    %convert_element_type3A = arith.extui %eq3A_12 : i1 to i32
    %cond3A = arith.constant 0 : i32
    %cond3A_13 = arith.cmpi ne, %convert_element_type3A, %cond3A : i32
    scf.if %cond3A_13 {
      %broadcast_in_dim3A_32 = arith.constant 0.000000e+00 : f32
      %broadcast_in_dim3A_33 = vector.broadcast %broadcast_in_dim3A_32 : f32 to vector<2x128xf32>
      %swap3A_34 = arith.constant 0 : index
      %swap3A_35 = arith.constant 0 : index
      %swap3A_36 = vector.load %arg5[%swap3A_34, %swap3A_35] : memref<2x128xf32, #tpu.memory_space<vmem>>, vector<2x128xf32>
      tpu.vector_store %arg5[%swap3A_34, %swap3A_35], %broadcast_in_dim3A_33 {strides = array<i32>} : memref<2x128xf32, #tpu.memory_space<vmem>>, vector<2x128xf32>,
    } else {
    }
    %get3A_14 = arith.constant 0 : index
    %get3A_15 = arith.constant 0 : index
    %get3A_16 = vector.load %arg5[%get3A_14, %get3A_15] : memref<2x128xf32, #tpu.memory_space<vmem>>, vector<1x128xf32>
    %reduce_sum3A = arith.constant dense<0.000000e+00> : vector<128xf32>
    %reduce_sum3A_17 = vector.multi_reduction <add>, %add3A_9, %reduce_sum3A [0] : vector<2000x128xf32> to vector<128xf32>
    %broadcast_in_dim3A = vector.shape_cast %reduce_sum3A_17 : vector<128xf32> to vector<1x128xf32>
    %add3A_18 = arith.addf %get3A_16, %broadcast_in_dim3A : vector<1x128xf32>
    %swap3A_19 = arith.constant 0 : index
    %swap3A_20 = arith.constant 0 : index
    %swap3A_21 = vector.load %arg5[%swap3A_19, %swap3A_20] : memref<2x128xf32, #tpu.memory_space<vmem>>, vector<1x128xf32>
    tpu.vector_store %arg5[%swap3A_19, %swap3A_20], %add3A_18 {strides = array<i32>} : memref<2x128xf32, #tpu.memory_space<vmem>>, vector<1x128xf32>,
    %get3A_22 = arith.constant 1 : index
    %get3A_23 = arith.constant 0 : index
    %get3A_24 = vector.load %arg5[%get3A_22, %get3A_23] : memref<2x128xf32, #tpu.memory_space<vmem>>, vector<1x128xf32>
    %mul3A = arith.mulf %add3A_9, %add3A_9 : vector<2000x128xf32>
    %reduce_sum3A_25 = arith.constant dense<0.000000e+00> : vector<128xf32>
    %reduce_sum3A_26 = vector.multi_reduction <add>, %mul3A, %reduce_sum3A_25 [0] : vector<2000x128xf32> to vector<128xf32>
    %broadcast_in_dim3A_27 = vector.shape_cast %reduce_sum3A_26 : vector<128xf32> to vector<1x128xf32>
    %add3A_28 = arith.addf %get3A_24, %broadcast_in_dim3A_27 : vector<1x128xf32>
    %swap3A_29 = arith.constant 1 : index
    %swap3A_30 = arith.constant 0 : index
    %swap3A_31 = vector.load %arg5[%swap3A_29, %swap3A_30] : memref<2x128xf32, #tpu.memory_space<vmem>>, vector<1x128xf32>
    tpu.vector_store %arg5[%swap3A_29, %swap3A_30], %add3A_28 {strides = array<i32>} : memref<2x128xf32, #tpu.memory_space<vmem>>, vector<1x128xf32>,
    return
  }
  func.func @transform_0(%arg0: i32) -> (i32, i32) {
    %c0_i32 = arith.constant 0 : i32
    %c0_i32_0 = arith.constant 0 : i32
    return %arg0, %c0_i32 : i32, i32
  }
  func.func @transform_1(%arg0: i32) -> (i32, i32) {
    %c0_i32 = arith.constant 0 : i32
    %c0_i32_0 = arith.constant 0 : i32
    %c0_i32_1 = arith.constant 0 : i32
    return %c0_i32, %c0_i32_0 : i32, i32
  }
  func.func @transform_2(%arg0: i32) -> (i32, i32) {
    %c0_i32 = arith.constant 0 : i32
    %c0_i32_0 = arith.constant 0 : i32
    %c0_i32_1 = arith.constant 0 : i32
    return %c0_i32, %c0_i32_0 : i32, i32
  }
  func.func @transform_3(%arg0: i32) -> (i32, i32) {
    %c0_i32 = arith.constant 0 : i32
    %c0_i32_0 = arith.constant 0 : i32
    return %arg0, %c0_i32 : i32, i32
  }
  func.func @transform_4(%arg0: i32) -> (i32, i32) {
    %c0_i32 = arith.constant 0 : i32
    %c0_i32_0 = arith.constant 0 : i32
    %c0_i32_1 = arith.constant 0 : i32
    return %c0_i32, %c0_i32_0 : i32, i32
  }
}

module attributes {stable_mosaic.version = 14 : i64} {
  func.func @_lin2_body(%arg0: i32, %arg1: memref<2000x128xf32, #tpu.memory_space<vmem>>, %arg2: memref<1x128xf32, #tpu.memory_space<vmem>>, %arg3: memref<1x128xf32, #tpu.memory_space<vmem>>, %arg4: memref<128x256xf32, #tpu.memory_space<vmem>>, %arg5: memref<1x256xf32, #tpu.memory_space<vmem>>, %arg6: memref<2000x256xf32, #tpu.memory_space<vmem>>, %arg7: memref<2x256xf32, #tpu.memory_space<vmem>>) attributes {dimension_semantics = [#tpu.dimension_semantics<arbitrary>], iteration_bounds = array<i64: 25>, scalar_prefetch = 0 : i64, scratch_operands = 0 : i64, tpu.core_type = #tpu.core_type<tc>, window_params = [{transform_indices = @transform_0, window_bounds = array<i64: 2000, 128>}, {pipeline_mode = #tpu.pipeline_mode<synchronous>, transform_indices = @transform_1, window_bounds = array<i64: 1, 128>}, {pipeline_mode = #tpu.pipeline_mode<synchronous>, transform_indices = @transform_2, window_bounds = array<i64: 1, 128>}, {pipeline_mode = #tpu.pipeline_mode<synchronous>, transform_indices = @transform_3, window_bounds = array<i64: 128, 256>}, {pipeline_mode = #tpu.pipeline_mode<synchronous>, transform_indices = @transform_4, window_bounds = array<i64: 1, 256>}, {transform_indices = @transform_5, window_bounds = array<i64: 2000, 256>}, {pipeline_mode = #tpu.pipeline_mode<synchronous>, transform_indices = @transform_6, window_bounds = array<i64: 2, 256>}]} {
    %get3A = arith.constant 0 : index
    %get3A_0 = arith.constant 0 : index
    %get3A_1 = vector.load %arg1[%get3A, %get3A_0] : memref<2000x128xf32, #tpu.memory_space<vmem>>, vector<2000x128xf32>
    %get3A_2 = arith.constant 0 : index
    %get3A_3 = arith.constant 0 : index
    %get3A_4 = vector.load %arg2[%get3A_2, %get3A_3] : memref<1x128xf32, #tpu.memory_space<vmem>>, vector<1x128xf32>
    %mul3A = vector.broadcast %get3A_4 : vector<1x128xf32> to vector<2000x128xf32>
    %mul3A_5 = arith.mulf %get3A_1, %mul3A : vector<2000x128xf32>
    %get3A_6 = arith.constant 0 : index
    %get3A_7 = arith.constant 0 : index
    %get3A_8 = vector.load %arg3[%get3A_6, %get3A_7] : memref<1x128xf32, #tpu.memory_space<vmem>>, vector<1x128xf32>
    %add3A = vector.broadcast %get3A_8 : vector<1x128xf32> to vector<2000x128xf32>
    %add3A_9 = arith.addf %mul3A_5, %add3A : vector<2000x128xf32>
    %logistic3A = arith.negf %add3A_9 : vector<2000x128xf32>
    %logistic3A_10 = math.exp %logistic3A : vector<2000x128xf32>
    %logistic3A_11 = arith.constant 1.000000e+00 : f32
    %logistic3A_12 = vector.broadcast %logistic3A_11 : f32 to vector<2000x128xf32>
    %logistic3A_13 = arith.addf %logistic3A_12, %logistic3A_10 : vector<2000x128xf32>
    %logistic3A_14 = arith.divf %logistic3A_12, %logistic3A_13 : vector<2000x128xf32>
    %mul3A_15 = arith.mulf %add3A_9, %logistic3A_14 : vector<2000x128xf32>
    %get3A_16 = arith.constant 0 : index
    %get3A_17 = arith.constant 0 : index
    %get3A_18 = vector.load %arg4[%get3A_16, %get3A_17] : memref<128x256xf32, #tpu.memory_space<vmem>>, vector<128x256xf32>
    %dot_general3A = arith.constant dense<0.000000e+00> : vector<2000x256xf32>
    %dot_general3A_19 = tpu.matmul %mul3A_15, %get3A_18, %dot_general3A {dimension_numbers = #tpu.dot_dimension_numbers<[1], [0], [0], [1], [0, 0, 1, 1], [], []>, transpose_lhs_hint = false} : vector<2000x128xf32>, vector<128x256xf32>, vector<2000x256xf32> -> vector<2000x256xf32>
    %get3A_20 = arith.constant 0 : index
    %get3A_21 = arith.constant 0 : index
    %get3A_22 = vector.load %arg5[%get3A_20, %get3A_21] : memref<1x256xf32, #tpu.memory_space<vmem>>, vector<1x256xf32>
    %add3A_23 = vector.broadcast %get3A_22 : vector<1x256xf32> to vector<2000x256xf32>
    %add3A_24 = arith.addf %dot_general3A_19, %add3A_23 : vector<2000x256xf32>
    %swap3A = arith.constant 0 : index
    %swap3A_25 = arith.constant 0 : index
    %swap3A_26 = vector.load %arg6[%swap3A, %swap3A_25] : memref<2000x256xf32, #tpu.memory_space<vmem>>, vector<2000x256xf32>
    tpu.vector_store %arg6[%swap3A, %swap3A_25], %add3A_24 {strides = array<i32>} : memref<2000x256xf32, #tpu.memory_space<vmem>>, vector<2000x256xf32>,
    %eq3A = arith.constant 0 : i32
    %eq3A_27 = arith.cmpi eq, %arg0, %eq3A : i32
    %convert_element_type3A = arith.extui %eq3A_27 : i1 to i32
    %cond3A = arith.constant 0 : i32
    %cond3A_28 = arith.cmpi ne, %convert_element_type3A, %cond3A : i32
    scf.if %cond3A_28 {
      %broadcast_in_dim3A_48 = arith.constant 0.000000e+00 : f32
      %broadcast_in_dim3A_49 = vector.broadcast %broadcast_in_dim3A_48 : f32 to vector<2x256xf32>
      %swap3A_50 = arith.constant 0 : index
      %swap3A_51 = arith.constant 0 : index
      %swap3A_52 = vector.load %arg7[%swap3A_50, %swap3A_51] : memref<2x256xf32, #tpu.memory_space<vmem>>, vector<2x256xf32>
      tpu.vector_store %arg7[%swap3A_50, %swap3A_51], %broadcast_in_dim3A_49 {strides = array<i32>} : memref<2x256xf32, #tpu.memory_space<vmem>>, vector<2x256xf32>,
    } else {
    }
    %get3A_29 = arith.constant 0 : index
    %get3A_30 = arith.constant 0 : index
    %get3A_31 = vector.load %arg7[%get3A_29, %get3A_30] : memref<2x256xf32, #tpu.memory_space<vmem>>, vector<1x256xf32>
    %reduce_sum3A = arith.constant dense<0.000000e+00> : vector<256xf32>
    %reduce_sum3A_32 = vector.multi_reduction <add>, %add3A_24, %reduce_sum3A [0] : vector<2000x256xf32> to vector<256xf32>
    %broadcast_in_dim3A = vector.shape_cast %reduce_sum3A_32 : vector<256xf32> to vector<1x256xf32>
    %add3A_33 = arith.addf %get3A_31, %broadcast_in_dim3A : vector<1x256xf32>
    %swap3A_34 = arith.constant 0 : index
    %swap3A_35 = arith.constant 0 : index
    %swap3A_36 = vector.load %arg7[%swap3A_34, %swap3A_35] : memref<2x256xf32, #tpu.memory_space<vmem>>, vector<1x256xf32>
    tpu.vector_store %arg7[%swap3A_34, %swap3A_35], %add3A_33 {strides = array<i32>} : memref<2x256xf32, #tpu.memory_space<vmem>>, vector<1x256xf32>,
    %get3A_37 = arith.constant 1 : index
    %get3A_38 = arith.constant 0 : index
    %get3A_39 = vector.load %arg7[%get3A_37, %get3A_38] : memref<2x256xf32, #tpu.memory_space<vmem>>, vector<1x256xf32>
    %mul3A_40 = arith.mulf %add3A_24, %add3A_24 : vector<2000x256xf32>
    %reduce_sum3A_41 = arith.constant dense<0.000000e+00> : vector<256xf32>
    %reduce_sum3A_42 = vector.multi_reduction <add>, %mul3A_40, %reduce_sum3A_41 [0] : vector<2000x256xf32> to vector<256xf32>
    %broadcast_in_dim3A_43 = vector.shape_cast %reduce_sum3A_42 : vector<256xf32> to vector<1x256xf32>
    %add3A_44 = arith.addf %get3A_39, %broadcast_in_dim3A_43 : vector<1x256xf32>
    %swap3A_45 = arith.constant 1 : index
    %swap3A_46 = arith.constant 0 : index
    %swap3A_47 = vector.load %arg7[%swap3A_45, %swap3A_46] : memref<2x256xf32, #tpu.memory_space<vmem>>, vector<1x256xf32>
    tpu.vector_store %arg7[%swap3A_45, %swap3A_46], %add3A_44 {strides = array<i32>} : memref<2x256xf32, #tpu.memory_space<vmem>>, vector<1x256xf32>,
    return
  }
  func.func @transform_0(%arg0: i32) -> (i32, i32) {
    %c0_i32 = arith.constant 0 : i32
    %c0_i32_0 = arith.constant 0 : i32
    return %arg0, %c0_i32 : i32, i32
  }
  func.func @transform_1(%arg0: i32) -> (i32, i32) {
    %c0_i32 = arith.constant 0 : i32
    %c0_i32_0 = arith.constant 0 : i32
    %c0_i32_1 = arith.constant 0 : i32
    return %c0_i32, %c0_i32_0 : i32, i32
  }
  func.func @transform_2(%arg0: i32) -> (i32, i32) {
    %c0_i32 = arith.constant 0 : i32
    %c0_i32_0 = arith.constant 0 : i32
    %c0_i32_1 = arith.constant 0 : i32
    return %c0_i32, %c0_i32_0 : i32, i32
  }
  func.func @transform_3(%arg0: i32) -> (i32, i32) {
    %c0_i32 = arith.constant 0 : i32
    %c0_i32_0 = arith.constant 0 : i32
    %c0_i32_1 = arith.constant 0 : i32
    return %c0_i32, %c0_i32_0 : i32, i32
  }
  func.func @transform_4(%arg0: i32) -> (i32, i32) {
    %c0_i32 = arith.constant 0 : i32
    %c0_i32_0 = arith.constant 0 : i32
    %c0_i32_1 = arith.constant 0 : i32
    return %c0_i32, %c0_i32_0 : i32, i32
  }
  func.func @transform_5(%arg0: i32) -> (i32, i32) {
    %c0_i32 = arith.constant 0 : i32
    %c0_i32_0 = arith.constant 0 : i32
    return %arg0, %c0_i32 : i32, i32
  }
  func.func @transform_6(%arg0: i32) -> (i32, i32) {
    %c0_i32 = arith.constant 0 : i32
    %c0_i32_0 = arith.constant 0 : i32
    %c0_i32_1 = arith.constant 0 : i32
    return %c0_i32, %c0_i32_0 : i32, i32
  }
}

module attributes {stable_mosaic.version = 14 : i64} {
  func.func @_chem_body(%arg0: i32, %arg1: memref<2000x256xf32, #tpu.memory_space<vmem>>, %arg2: memref<1x256xf32, #tpu.memory_space<vmem>>, %arg3: memref<1x256xf32, #tpu.memory_space<vmem>>, %arg4: memref<128x128xf32, #tpu.memory_space<vmem>>, %arg5: memref<2000x128xf32, #tpu.memory_space<vmem>>, %arg6: memref<2000x128xf32, #tpu.memory_space<vmem>>) attributes {dimension_semantics = [#tpu.dimension_semantics<arbitrary>], iteration_bounds = array<i64: 25>, scalar_prefetch = 0 : i64, scratch_operands = 0 : i64, tpu.core_type = #tpu.core_type<tc>, window_params = [{transform_indices = @transform_0, window_bounds = array<i64: 2000, 256>}, {pipeline_mode = #tpu.pipeline_mode<synchronous>, transform_indices = @transform_1, window_bounds = array<i64: 1, 256>}, {pipeline_mode = #tpu.pipeline_mode<synchronous>, transform_indices = @transform_2, window_bounds = array<i64: 1, 256>}, {pipeline_mode = #tpu.pipeline_mode<synchronous>, transform_indices = @transform_3, window_bounds = array<i64: 128, 128>}, {transform_indices = @transform_4, window_bounds = array<i64: 2000, 128>}, {transform_indices = @transform_5, window_bounds = array<i64: 2000, 128>}]} {
    %get3A = arith.constant 0 : index
    %get3A_0 = arith.constant 0 : index
    %get3A_1 = vector.load %arg1[%get3A, %get3A_0] : memref<2000x256xf32, #tpu.memory_space<vmem>>, vector<2000x256xf32>
    %get3A_2 = arith.constant 0 : index
    %get3A_3 = arith.constant 0 : index
    %get3A_4 = vector.load %arg2[%get3A_2, %get3A_3] : memref<1x256xf32, #tpu.memory_space<vmem>>, vector<1x256xf32>
    %mul3A = vector.broadcast %get3A_4 : vector<1x256xf32> to vector<2000x256xf32>
    %mul3A_5 = arith.mulf %get3A_1, %mul3A : vector<2000x256xf32>
    %get3A_6 = arith.constant 0 : index
    %get3A_7 = arith.constant 0 : index
    %get3A_8 = vector.load %arg3[%get3A_6, %get3A_7] : memref<1x256xf32, #tpu.memory_space<vmem>>, vector<1x256xf32>
    %add3A = vector.broadcast %get3A_8 : vector<1x256xf32> to vector<2000x256xf32>
    %add3A_9 = arith.addf %mul3A_5, %add3A : vector<2000x256xf32>
    %slice3A = vector.extract_strided_slice %add3A_9 {offsets = [0, 0], sizes = [2000, 128], strides = [1, 1]} : vector<2000x256xf32> to vector<2000x128xf32>
    %logistic3A = arith.negf %slice3A : vector<2000x128xf32>
    %logistic3A_10 = math.exp %logistic3A : vector<2000x128xf32>
    %logistic3A_11 = arith.constant 1.000000e+00 : f32
    %logistic3A_12 = vector.broadcast %logistic3A_11 : f32 to vector<2000x128xf32>
    %logistic3A_13 = arith.addf %logistic3A_12, %logistic3A_10 : vector<2000x128xf32>
    %logistic3A_14 = arith.divf %logistic3A_12, %logistic3A_13 : vector<2000x128xf32>
    %slice3A_15 = vector.extract_strided_slice %add3A_9 {offsets = [0, 128], sizes = [2000, 128], strides = [1, 1]} : vector<2000x256xf32> to vector<2000x128xf32>
    %custom_jvp_call3A = arith.constant 0.000000e+00 : f32
    %max3A = vector.broadcast %custom_jvp_call3A : f32 to vector<2000x128xf32>
    %max3A_16 = arith.maximumf %slice3A_15, %max3A : vector<2000x128xf32>
    %sub3A = vector.broadcast %custom_jvp_call3A : f32 to vector<2000x128xf32>
    %sub3A_17 = arith.subf %slice3A_15, %sub3A : vector<2000x128xf32>
    %ne3A = arith.cmpf one, %sub3A_17, %sub3A_17 : vector<2000x128xf32>
    %add3A_18 = vector.broadcast %custom_jvp_call3A : f32 to vector<2000x128xf32>
    %add3A_19 = arith.addf %slice3A_15, %add3A_18 : vector<2000x128xf32>
    %abs3A = math.absf %sub3A_17 : vector<2000x128xf32>
    %neg3A = arith.constant 0.000000e+00 : f32
    %neg3A_20 = vector.broadcast %neg3A : f32 to vector<2000x128xf32>
    %neg3A_21 = arith.subf %neg3A_20, %abs3A : vector<2000x128xf32>
    %exp3A = math.exp %neg3A_21 : vector<2000x128xf32>
    %log1p3A = math.log1p %exp3A : vector<2000x128xf32>
    %add3A_22 = arith.addf %max3A_16, %log1p3A : vector<2000x128xf32>
    %select_n3A = arith.select %ne3A, %add3A_19, %add3A_22 : vector<2000x128xi1>, vector<2000x128xf32>
    %mul3A_23 = arith.mulf %logistic3A_14, %select_n3A : vector<2000x128xf32>
    %swap3A = arith.constant 0 : index
    %swap3A_24 = arith.constant 0 : index
    %swap3A_25 = vector.load %arg5[%swap3A, %swap3A_24] : memref<2000x128xf32, #tpu.memory_space<vmem>>, vector<2000x128xf32>
    tpu.vector_store %arg5[%swap3A, %swap3A_24], %mul3A_23 {strides = array<i32>} : memref<2000x128xf32, #tpu.memory_space<vmem>>, vector<2000x128xf32>,
    %get3A_26 = arith.constant 0 : index
    %get3A_27 = arith.constant 0 : index
    %get3A_28 = vector.load %arg4[%get3A_26, %get3A_27] : memref<128x128xf32, #tpu.memory_space<vmem>>, vector<128x128xf32>
    %dot_general3A = arith.constant dense<0.000000e+00> : vector<2000x128xf32>
    %dot_general3A_29 = tpu.matmul %mul3A_23, %get3A_28, %dot_general3A {dimension_numbers = #tpu.dot_dimension_numbers<[1], [0], [0], [1], [0, 0, 1, 1], [], []>, transpose_lhs_hint = false} : vector<2000x128xf32>, vector<128x128xf32>, vector<2000x128xf32> -> vector<2000x128xf32>
    %swap3A_30 = arith.constant 0 : index
    %swap3A_31 = arith.constant 0 : index
    %swap3A_32 = vector.load %arg6[%swap3A_30, %swap3A_31] : memref<2000x128xf32, #tpu.memory_space<vmem>>, vector<2000x128xf32>
    tpu.vector_store %arg6[%swap3A_30, %swap3A_31], %dot_general3A_29 {strides = array<i32>} : memref<2000x128xf32, #tpu.memory_space<vmem>>, vector<2000x128xf32>,
    return
  }
  func.func @transform_0(%arg0: i32) -> (i32, i32) {
    %c0_i32 = arith.constant 0 : i32
    %c0_i32_0 = arith.constant 0 : i32
    return %arg0, %c0_i32 : i32, i32
  }
  func.func @transform_1(%arg0: i32) -> (i32, i32) {
    %c0_i32 = arith.constant 0 : i32
    %c0_i32_0 = arith.constant 0 : i32
    %c0_i32_1 = arith.constant 0 : i32
    return %c0_i32, %c0_i32_0 : i32, i32
  }
  func.func @transform_2(%arg0: i32) -> (i32, i32) {
    %c0_i32 = arith.constant 0 : i32
    %c0_i32_0 = arith.constant 0 : i32
    %c0_i32_1 = arith.constant 0 : i32
    return %c0_i32, %c0_i32_0 : i32, i32
  }
  func.func @transform_3(%arg0: i32) -> (i32, i32) {
    %c0_i32 = arith.constant 0 : i32
    %c0_i32_0 = arith.constant 0 : i32
    %c0_i32_1 = arith.constant 0 : i32
    return %c0_i32, %c0_i32_0 : i32, i32
  }
  func.func @transform_4(%arg0: i32) -> (i32, i32) {
    %c0_i32 = arith.constant 0 : i32
    %c0_i32_0 = arith.constant 0 : i32
    return %arg0, %c0_i32 : i32, i32
  }
  func.func @transform_5(%arg0: i32) -> (i32, i32) {
    %c0_i32 = arith.constant 0 : i32
    %c0_i32_0 = arith.constant 0 : i32
    return %arg0, %c0_i32 : i32, i32
  }
}

module attributes {stable_mosaic.version = 14 : i64} {
  func.func @_enc_body(%arg0: i32, %arg1: memref<6400x16xf32, #tpu.memory_space<vmem>>, %arg2: memref<6400x32xf32, #tpu.memory_space<vmem>>) attributes {dimension_semantics = [#tpu.dimension_semantics<arbitrary>], iteration_bounds = array<i64: 125>, scalar_prefetch = 0 : i64, scratch_operands = 0 : i64, tpu.core_type = #tpu.core_type<tc>, window_params = [{transform_indices = @transform_0, window_bounds = array<i64: 6400, 16>}, {transform_indices = @transform_1, window_bounds = array<i64: 6400, 32>}]} {
    %get3A = arith.constant 0 : index
    %get3A_0 = arith.constant 0 : index
    %get3A_1 = vector.load %arg1[%get3A, %get3A_0] : memref<6400x16xf32, #tpu.memory_space<vmem>>, vector<6400x16xf32>
    %slice3A = vector.extract_strided_slice %get3A_1 {offsets = [0, 0], sizes = [6400, 1], strides = [1, 1]} : vector<6400x16xf32> to vector<6400x1xf32>
    %slice3A_2 = vector.extract_strided_slice %get3A_1 {offsets = [0, 1], sizes = [6400, 1], strides = [1, 1]} : vector<6400x16xf32> to vector<6400x1xf32>
    %iota3A = tpu.iota {dimensions = array<i32: 1>} : vector<1x16xi32>
    %convert_element_type3A = arith.sitofp %iota3A : vector<1x16xi32> to vector<1x16xf32>
    %mul3A = arith.constant 0.533333361 : f32
    %mul3A_3 = vector.broadcast %mul3A : f32 to vector<1x16xf32>
    %mul3A_4 = arith.mulf %convert_element_type3A, %mul3A_3 : vector<1x16xf32>
    %add3A = arith.constant 0.000000e+00 : f32
    %add3A_5 = vector.broadcast %add3A : f32 to vector<1x16xf32>
    %add3A_6 = arith.addf %add3A_5, %mul3A_4 : vector<1x16xf32>
    %iota3A_7 = tpu.iota {dimensions = array<i32: 1>} : vector<1x16xi32>
    %convert_element_type3A_8 = arith.sitofp %iota3A_7 : vector<1x16xi32> to vector<1x16xf32>
    %mul3A_9 = arith.constant 0.13333334 : f32
    %mul3A_10 = vector.broadcast %mul3A_9 : f32 to vector<1x16xf32>
    %mul3A_11 = arith.mulf %convert_element_type3A_8, %mul3A_10 : vector<1x16xf32>
    %add3A_12 = arith.constant -1.000000e+00 : f32
    %add3A_13 = vector.broadcast %add3A_12 : f32 to vector<1x16xf32>
    %add3A_14 = arith.addf %add3A_13, %mul3A_11 : vector<1x16xf32>
    %sub3A = vector.broadcast %slice3A : vector<6400x1xf32> to vector<6400x16xf32>
    %sub3A_15 = vector.broadcast %add3A_6 : vector<1x16xf32> to vector<6400x16xf32>
    %sub3A_16 = arith.subf %sub3A, %sub3A_15 : vector<6400x16xf32>
    %div3A = arith.constant 5.000000e-01 : f32
    %div3A_17 = vector.broadcast %div3A : f32 to vector<6400x16xf32>
    %div3A_18 = arith.divf %sub3A_16, %div3A_17 : vector<6400x16xf32>
    %integer_pow3A = arith.mulf %div3A_18, %div3A_18 : vector<6400x16xf32>
    %neg3A = arith.constant 0.000000e+00 : f32
    %neg3A_19 = vector.broadcast %neg3A : f32 to vector<6400x16xf32>
    %neg3A_20 = arith.subf %neg3A_19, %integer_pow3A : vector<6400x16xf32>
    %exp3A = math.exp %neg3A_20 : vector<6400x16xf32>
    %sub3A_21 = vector.broadcast %slice3A_2 : vector<6400x1xf32> to vector<6400x16xf32>
    %sub3A_22 = vector.broadcast %add3A_14 : vector<1x16xf32> to vector<6400x16xf32>
    %sub3A_23 = arith.subf %sub3A_21, %sub3A_22 : vector<6400x16xf32>
    %div3A_24 = arith.constant 1.250000e-01 : f32
    %div3A_25 = vector.broadcast %div3A_24 : f32 to vector<6400x16xf32>
    %div3A_26 = arith.divf %sub3A_23, %div3A_25 : vector<6400x16xf32>
    %integer_pow3A_27 = arith.mulf %div3A_26, %div3A_26 : vector<6400x16xf32>
    %neg3A_28 = arith.constant 0.000000e+00 : f32
    %neg3A_29 = vector.broadcast %neg3A_28 : f32 to vector<6400x16xf32>
    %neg3A_30 = arith.subf %neg3A_29, %integer_pow3A_27 : vector<6400x16xf32>
    %exp3A_31 = math.exp %neg3A_30 : vector<6400x16xf32>
    %concatenate3A = tpu.concatenate %exp3A, %exp3A_31 in 1 : vector<6400x16xf32>, vector<6400x16xf32> -> vector<6400x32xf32>
    %swap3A = arith.constant 0 : index
    %swap3A_32 = arith.constant 0 : index
    %swap3A_33 = vector.load %arg2[%swap3A, %swap3A_32] : memref<6400x32xf32, #tpu.memory_space<vmem>>, vector<6400x32xf32>
    tpu.vector_store %arg2[%swap3A, %swap3A_32], %concatenate3A {strides = array<i32>} : memref<6400x32xf32, #tpu.memory_space<vmem>>, vector<6400x32xf32>,
    return
  }
  func.func @transform_0(%arg0: i32) -> (i32, i32) {
    %c0_i32 = arith.constant 0 : i32
    %c0_i32_0 = arith.constant 0 : i32
    return %arg0, %c0_i32 : i32, i32
  }
  func.func @transform_1(%arg0: i32) -> (i32, i32) {
    %c0_i32 = arith.constant 0 : i32
    %c0_i32_0 = arith.constant 0 : i32
    return %arg0, %c0_i32 : i32, i32
  }
}

module attributes {stable_mosaic.version = 14 : i64} {
  func.func @_lin_body(%arg0: i32, %arg1: memref<2000x22xf32, #tpu.memory_space<vmem>>, %arg2: memref<22x128xf32, #tpu.memory_space<vmem>>, %arg3: memref<1x128xf32, #tpu.memory_space<vmem>>, %arg4: memref<2000x128xf32, #tpu.memory_space<vmem>>, %arg5: memref<2x128xf32, #tpu.memory_space<vmem>>) attributes {dimension_semantics = [#tpu.dimension_semantics<arbitrary>], iteration_bounds = array<i64: 25>, scalar_prefetch = 0 : i64, scratch_operands = 0 : i64, tpu.core_type = #tpu.core_type<tc>, window_params = [{transform_indices = @transform_0, window_bounds = array<i64: 2000, 22>}, {pipeline_mode = #tpu.pipeline_mode<synchronous>, transform_indices = @transform_1, window_bounds = array<i64: 22, 128>}, {pipeline_mode = #tpu.pipeline_mode<synchronous>, transform_indices = @transform_2, window_bounds = array<i64: 1, 128>}, {transform_indices = @transform_3, window_bounds = array<i64: 2000, 128>}, {pipeline_mode = #tpu.pipeline_mode<synchronous>, transform_indices = @transform_4, window_bounds = array<i64: 2, 128>}]} {
    %get3A = arith.constant 0 : index
    %get3A_0 = arith.constant 0 : index
    %get3A_1 = vector.load %arg1[%get3A, %get3A_0] : memref<2000x22xf32, #tpu.memory_space<vmem>>, vector<2000x22xf32>
    %get3A_2 = arith.constant 0 : index
    %get3A_3 = arith.constant 0 : index
    %get3A_4 = vector.load %arg2[%get3A_2, %get3A_3] : memref<22x128xf32, #tpu.memory_space<vmem>>, vector<22x128xf32>
    %dot_general3A = arith.constant dense<0.000000e+00> : vector<2000x128xf32>
    %dot_general3A_5 = tpu.matmul %get3A_1, %get3A_4, %dot_general3A {dimension_numbers = #tpu.dot_dimension_numbers<[1], [0], [0], [1], [0, 0, 1, 1], [], []>, transpose_lhs_hint = false} : vector<2000x22xf32>, vector<22x128xf32>, vector<2000x128xf32> -> vector<2000x128xf32>
    %get3A_6 = arith.constant 0 : index
    %get3A_7 = arith.constant 0 : index
    %get3A_8 = vector.load %arg3[%get3A_6, %get3A_7] : memref<1x128xf32, #tpu.memory_space<vmem>>, vector<1x128xf32>
    %add3A = vector.broadcast %get3A_8 : vector<1x128xf32> to vector<2000x128xf32>
    %add3A_9 = arith.addf %dot_general3A_5, %add3A : vector<2000x128xf32>
    %swap3A = arith.constant 0 : index
    %swap3A_10 = arith.constant 0 : index
    %swap3A_11 = vector.load %arg4[%swap3A, %swap3A_10] : memref<2000x128xf32, #tpu.memory_space<vmem>>, vector<2000x128xf32>
    tpu.vector_store %arg4[%swap3A, %swap3A_10], %add3A_9 {strides = array<i32>} : memref<2000x128xf32, #tpu.memory_space<vmem>>, vector<2000x128xf32>,
    %eq3A = arith.constant 0 : i32
    %eq3A_12 = arith.cmpi eq, %arg0, %eq3A : i32
    %convert_element_type3A = arith.extui %eq3A_12 : i1 to i32
    %cond3A = arith.constant 0 : i32
    %cond3A_13 = arith.cmpi ne, %convert_element_type3A, %cond3A : i32
    scf.if %cond3A_13 {
      %broadcast_in_dim3A_32 = arith.constant 0.000000e+00 : f32
      %broadcast_in_dim3A_33 = vector.broadcast %broadcast_in_dim3A_32 : f32 to vector<2x128xf32>
      %swap3A_34 = arith.constant 0 : index
      %swap3A_35 = arith.constant 0 : index
      %swap3A_36 = vector.load %arg5[%swap3A_34, %swap3A_35] : memref<2x128xf32, #tpu.memory_space<vmem>>, vector<2x128xf32>
      tpu.vector_store %arg5[%swap3A_34, %swap3A_35], %broadcast_in_dim3A_33 {strides = array<i32>} : memref<2x128xf32, #tpu.memory_space<vmem>>, vector<2x128xf32>,
    } else {
    }
    %get3A_14 = arith.constant 0 : index
    %get3A_15 = arith.constant 0 : index
    %get3A_16 = vector.load %arg5[%get3A_14, %get3A_15] : memref<2x128xf32, #tpu.memory_space<vmem>>, vector<1x128xf32>
    %reduce_sum3A = arith.constant dense<0.000000e+00> : vector<128xf32>
    %reduce_sum3A_17 = vector.multi_reduction <add>, %add3A_9, %reduce_sum3A [0] : vector<2000x128xf32> to vector<128xf32>
    %broadcast_in_dim3A = vector.shape_cast %reduce_sum3A_17 : vector<128xf32> to vector<1x128xf32>
    %add3A_18 = arith.addf %get3A_16, %broadcast_in_dim3A : vector<1x128xf32>
    %swap3A_19 = arith.constant 0 : index
    %swap3A_20 = arith.constant 0 : index
    %swap3A_21 = vector.load %arg5[%swap3A_19, %swap3A_20] : memref<2x128xf32, #tpu.memory_space<vmem>>, vector<1x128xf32>
    tpu.vector_store %arg5[%swap3A_19, %swap3A_20], %add3A_18 {strides = array<i32>} : memref<2x128xf32, #tpu.memory_space<vmem>>, vector<1x128xf32>,
    %get3A_22 = arith.constant 1 : index
    %get3A_23 = arith.constant 0 : index
    %get3A_24 = vector.load %arg5[%get3A_22, %get3A_23] : memref<2x128xf32, #tpu.memory_space<vmem>>, vector<1x128xf32>
    %mul3A = arith.mulf %add3A_9, %add3A_9 : vector<2000x128xf32>
    %reduce_sum3A_25 = arith.constant dense<0.000000e+00> : vector<128xf32>
    %reduce_sum3A_26 = vector.multi_reduction <add>, %mul3A, %reduce_sum3A_25 [0] : vector<2000x128xf32> to vector<128xf32>
    %broadcast_in_dim3A_27 = vector.shape_cast %reduce_sum3A_26 : vector<128xf32> to vector<1x128xf32>
    %add3A_28 = arith.addf %get3A_24, %broadcast_in_dim3A_27 : vector<1x128xf32>
    %swap3A_29 = arith.constant 1 : index
    %swap3A_30 = arith.constant 0 : index
    %swap3A_31 = vector.load %arg5[%swap3A_29, %swap3A_30] : memref<2x128xf32, #tpu.memory_space<vmem>>, vector<1x128xf32>
    tpu.vector_store %arg5[%swap3A_29, %swap3A_30], %add3A_28 {strides = array<i32>} : memref<2x128xf32, #tpu.memory_space<vmem>>, vector<1x128xf32>,
    return
  }
  func.func @transform_0(%arg0: i32) -> (i32, i32) {
    %c0_i32 = arith.constant 0 : i32
    %c0_i32_0 = arith.constant 0 : i32
    return %arg0, %c0_i32 : i32, i32
  }
  func.func @transform_1(%arg0: i32) -> (i32, i32) {
    %c0_i32 = arith.constant 0 : i32
    %c0_i32_0 = arith.constant 0 : i32
    %c0_i32_1 = arith.constant 0 : i32
    return %c0_i32, %c0_i32_0 : i32, i32
  }
  func.func @transform_2(%arg0: i32) -> (i32, i32) {
    %c0_i32 = arith.constant 0 : i32
    %c0_i32_0 = arith.constant 0 : i32
    %c0_i32_1 = arith.constant 0 : i32
    return %c0_i32, %c0_i32_0 : i32, i32
  }
  func.func @transform_3(%arg0: i32) -> (i32, i32) {
    %c0_i32 = arith.constant 0 : i32
    %c0_i32_0 = arith.constant 0 : i32
    return %arg0, %c0_i32 : i32, i32
  }
  func.func @transform_4(%arg0: i32) -> (i32, i32) {
    %c0_i32 = arith.constant 0 : i32
    %c0_i32_0 = arith.constant 0 : i32
    %c0_i32_1 = arith.constant 0 : i32
    return %c0_i32, %c0_i32_0 : i32, i32
  }
}

module attributes {stable_mosaic.version = 14 : i64} {
  func.func @_lin2_body(%arg0: i32, %arg1: memref<2000x128xf32, #tpu.memory_space<vmem>>, %arg2: memref<1x128xf32, #tpu.memory_space<vmem>>, %arg3: memref<1x128xf32, #tpu.memory_space<vmem>>, %arg4: memref<128x128xf32, #tpu.memory_space<vmem>>, %arg5: memref<1x128xf32, #tpu.memory_space<vmem>>, %arg6: memref<2000x128xf32, #tpu.memory_space<vmem>>, %arg7: memref<2x128xf32, #tpu.memory_space<vmem>>) attributes {dimension_semantics = [#tpu.dimension_semantics<arbitrary>], iteration_bounds = array<i64: 25>, scalar_prefetch = 0 : i64, scratch_operands = 0 : i64, tpu.core_type = #tpu.core_type<tc>, window_params = [{transform_indices = @transform_0, window_bounds = array<i64: 2000, 128>}, {pipeline_mode = #tpu.pipeline_mode<synchronous>, transform_indices = @transform_1, window_bounds = array<i64: 1, 128>}, {pipeline_mode = #tpu.pipeline_mode<synchronous>, transform_indices = @transform_2, window_bounds = array<i64: 1, 128>}, {pipeline_mode = #tpu.pipeline_mode<synchronous>, transform_indices = @transform_3, window_bounds = array<i64: 128, 128>}, {pipeline_mode = #tpu.pipeline_mode<synchronous>, transform_indices = @transform_4, window_bounds = array<i64: 1, 128>}, {transform_indices = @transform_5, window_bounds = array<i64: 2000, 128>}, {pipeline_mode = #tpu.pipeline_mode<synchronous>, transform_indices = @transform_6, window_bounds = array<i64: 2, 128>}]} {
    %get3A = arith.constant 0 : index
    %get3A_0 = arith.constant 0 : index
    %get3A_1 = vector.load %arg1[%get3A, %get3A_0] : memref<2000x128xf32, #tpu.memory_space<vmem>>, vector<2000x128xf32>
    %get3A_2 = arith.constant 0 : index
    %get3A_3 = arith.constant 0 : index
    %get3A_4 = vector.load %arg2[%get3A_2, %get3A_3] : memref<1x128xf32, #tpu.memory_space<vmem>>, vector<1x128xf32>
    %mul3A = vector.broadcast %get3A_4 : vector<1x128xf32> to vector<2000x128xf32>
    %mul3A_5 = arith.mulf %get3A_1, %mul3A : vector<2000x128xf32>
    %get3A_6 = arith.constant 0 : index
    %get3A_7 = arith.constant 0 : index
    %get3A_8 = vector.load %arg3[%get3A_6, %get3A_7] : memref<1x128xf32, #tpu.memory_space<vmem>>, vector<1x128xf32>
    %add3A = vector.broadcast %get3A_8 : vector<1x128xf32> to vector<2000x128xf32>
    %add3A_9 = arith.addf %mul3A_5, %add3A : vector<2000x128xf32>
    %logistic3A = arith.negf %add3A_9 : vector<2000x128xf32>
    %logistic3A_10 = math.exp %logistic3A : vector<2000x128xf32>
    %logistic3A_11 = arith.constant 1.000000e+00 : f32
    %logistic3A_12 = vector.broadcast %logistic3A_11 : f32 to vector<2000x128xf32>
    %logistic3A_13 = arith.addf %logistic3A_12, %logistic3A_10 : vector<2000x128xf32>
    %logistic3A_14 = arith.divf %logistic3A_12, %logistic3A_13 : vector<2000x128xf32>
    %mul3A_15 = arith.mulf %add3A_9, %logistic3A_14 : vector<2000x128xf32>
    %get3A_16 = arith.constant 0 : index
    %get3A_17 = arith.constant 0 : index
    %get3A_18 = vector.load %arg4[%get3A_16, %get3A_17] : memref<128x128xf32, #tpu.memory_space<vmem>>, vector<128x128xf32>
    %dot_general3A = arith.constant dense<0.000000e+00> : vector<2000x128xf32>
    %dot_general3A_19 = tpu.matmul %mul3A_15, %get3A_18, %dot_general3A {dimension_numbers = #tpu.dot_dimension_numbers<[1], [0], [0], [1], [0, 0, 1, 1], [], []>, transpose_lhs_hint = false} : vector<2000x128xf32>, vector<128x128xf32>, vector<2000x128xf32> -> vector<2000x128xf32>
    %get3A_20 = arith.constant 0 : index
    %get3A_21 = arith.constant 0 : index
    %get3A_22 = vector.load %arg5[%get3A_20, %get3A_21] : memref<1x128xf32, #tpu.memory_space<vmem>>, vector<1x128xf32>
    %add3A_23 = vector.broadcast %get3A_22 : vector<1x128xf32> to vector<2000x128xf32>
    %add3A_24 = arith.addf %dot_general3A_19, %add3A_23 : vector<2000x128xf32>
    %swap3A = arith.constant 0 : index
    %swap3A_25 = arith.constant 0 : index
    %swap3A_26 = vector.load %arg6[%swap3A, %swap3A_25] : memref<2000x128xf32, #tpu.memory_space<vmem>>, vector<2000x128xf32>
    tpu.vector_store %arg6[%swap3A, %swap3A_25], %add3A_24 {strides = array<i32>} : memref<2000x128xf32, #tpu.memory_space<vmem>>, vector<2000x128xf32>,
    %eq3A = arith.constant 0 : i32
    %eq3A_27 = arith.cmpi eq, %arg0, %eq3A : i32
    %convert_element_type3A = arith.extui %eq3A_27 : i1 to i32
    %cond3A = arith.constant 0 : i32
    %cond3A_28 = arith.cmpi ne, %convert_element_type3A, %cond3A : i32
    scf.if %cond3A_28 {
      %broadcast_in_dim3A_48 = arith.constant 0.000000e+00 : f32
      %broadcast_in_dim3A_49 = vector.broadcast %broadcast_in_dim3A_48 : f32 to vector<2x128xf32>
      %swap3A_50 = arith.constant 0 : index
      %swap3A_51 = arith.constant 0 : index
      %swap3A_52 = vector.load %arg7[%swap3A_50, %swap3A_51] : memref<2x128xf32, #tpu.memory_space<vmem>>, vector<2x128xf32>
      tpu.vector_store %arg7[%swap3A_50, %swap3A_51], %broadcast_in_dim3A_49 {strides = array<i32>} : memref<2x128xf32, #tpu.memory_space<vmem>>, vector<2x128xf32>,
    } else {
    }
    %get3A_29 = arith.constant 0 : index
    %get3A_30 = arith.constant 0 : index
    %get3A_31 = vector.load %arg7[%get3A_29, %get3A_30] : memref<2x128xf32, #tpu.memory_space<vmem>>, vector<1x128xf32>
    %reduce_sum3A = arith.constant dense<0.000000e+00> : vector<128xf32>
    %reduce_sum3A_32 = vector.multi_reduction <add>, %add3A_24, %reduce_sum3A [0] : vector<2000x128xf32> to vector<128xf32>
    %broadcast_in_dim3A = vector.shape_cast %reduce_sum3A_32 : vector<128xf32> to vector<1x128xf32>
    %add3A_33 = arith.addf %get3A_31, %broadcast_in_dim3A : vector<1x128xf32>
    %swap3A_34 = arith.constant 0 : index
    %swap3A_35 = arith.constant 0 : index
    %swap3A_36 = vector.load %arg7[%swap3A_34, %swap3A_35] : memref<2x128xf32, #tpu.memory_space<vmem>>, vector<1x128xf32>
    tpu.vector_store %arg7[%swap3A_34, %swap3A_35], %add3A_33 {strides = array<i32>} : memref<2x128xf32, #tpu.memory_space<vmem>>, vector<1x128xf32>,
    %get3A_37 = arith.constant 1 : index
    %get3A_38 = arith.constant 0 : index
    %get3A_39 = vector.load %arg7[%get3A_37, %get3A_38] : memref<2x128xf32, #tpu.memory_space<vmem>>, vector<1x128xf32>
    %mul3A_40 = arith.mulf %add3A_24, %add3A_24 : vector<2000x128xf32>
    %reduce_sum3A_41 = arith.constant dense<0.000000e+00> : vector<128xf32>
    %reduce_sum3A_42 = vector.multi_reduction <add>, %mul3A_40, %reduce_sum3A_41 [0] : vector<2000x128xf32> to vector<128xf32>
    %broadcast_in_dim3A_43 = vector.shape_cast %reduce_sum3A_42 : vector<128xf32> to vector<1x128xf32>
    %add3A_44 = arith.addf %get3A_39, %broadcast_in_dim3A_43 : vector<1x128xf32>
    %swap3A_45 = arith.constant 1 : index
    %swap3A_46 = arith.constant 0 : index
    %swap3A_47 = vector.load %arg7[%swap3A_45, %swap3A_46] : memref<2x128xf32, #tpu.memory_space<vmem>>, vector<1x128xf32>
    tpu.vector_store %arg7[%swap3A_45, %swap3A_46], %add3A_44 {strides = array<i32>} : memref<2x128xf32, #tpu.memory_space<vmem>>, vector<1x128xf32>,
    return
  }
  func.func @transform_0(%arg0: i32) -> (i32, i32) {
    %c0_i32 = arith.constant 0 : i32
    %c0_i32_0 = arith.constant 0 : i32
    return %arg0, %c0_i32 : i32, i32
  }
  func.func @transform_1(%arg0: i32) -> (i32, i32) {
    %c0_i32 = arith.constant 0 : i32
    %c0_i32_0 = arith.constant 0 : i32
    %c0_i32_1 = arith.constant 0 : i32
    return %c0_i32, %c0_i32_0 : i32, i32
  }
  func.func @transform_2(%arg0: i32) -> (i32, i32) {
    %c0_i32 = arith.constant 0 : i32
    %c0_i32_0 = arith.constant 0 : i32
    %c0_i32_1 = arith.constant 0 : i32
    return %c0_i32, %c0_i32_0 : i32, i32
  }
  func.func @transform_3(%arg0: i32) -> (i32, i32) {
    %c0_i32 = arith.constant 0 : i32
    %c0_i32_0 = arith.constant 0 : i32
    %c0_i32_1 = arith.constant 0 : i32
    return %c0_i32, %c0_i32_0 : i32, i32
  }
  func.func @transform_4(%arg0: i32) -> (i32, i32) {
    %c0_i32 = arith.constant 0 : i32
    %c0_i32_0 = arith.constant 0 : i32
    %c0_i32_1 = arith.constant 0 : i32
    return %c0_i32, %c0_i32_0 : i32, i32
  }
  func.func @transform_5(%arg0: i32) -> (i32, i32) {
    %c0_i32 = arith.constant 0 : i32
    %c0_i32_0 = arith.constant 0 : i32
    return %arg0, %c0_i32 : i32, i32
  }
  func.func @transform_6(%arg0: i32) -> (i32, i32) {
    %c0_i32 = arith.constant 0 : i32
    %c0_i32_0 = arith.constant 0 : i32
    %c0_i32_1 = arith.constant 0 : i32
    return %c0_i32, %c0_i32_0 : i32, i32
  }
}

module attributes {stable_mosaic.version = 14 : i64} {
  func.func @_e1_body(%arg0: i32, %arg1: memref<6400x128xf32, #tpu.memory_space<vmem>>, %arg2: memref<6400x32xf32, #tpu.memory_space<vmem>>, %arg3: memref<32x128xf32, #tpu.memory_space<vmem>>, %arg4: memref<1x128xf32, #tpu.memory_space<vmem>>, %arg5: memref<2x128xf32, #tpu.memory_space<vmem>>) attributes {dimension_semantics = [#tpu.dimension_semantics<arbitrary>], iteration_bounds = array<i64: 125>, scalar_prefetch = 0 : i64, scratch_operands = 0 : i64, tpu.core_type = #tpu.core_type<tc>, window_params = [{transform_indices = @transform_0, window_bounds = array<i64: 6400, 128>}, {transform_indices = @transform_1, window_bounds = array<i64: 6400, 32>}, {pipeline_mode = #tpu.pipeline_mode<synchronous>, transform_indices = @transform_2, window_bounds = array<i64: 32, 128>}, {pipeline_mode = #tpu.pipeline_mode<synchronous>, transform_indices = @transform_3, window_bounds = array<i64: 1, 128>}, {pipeline_mode = #tpu.pipeline_mode<synchronous>, transform_indices = @transform_4, window_bounds = array<i64: 2, 128>}]} {
    %eq3A = arith.constant 0 : i32
    %eq3A_0 = arith.cmpi eq, %arg0, %eq3A : i32
    %convert_element_type3A = arith.extui %eq3A_0 : i1 to i32
    %cond3A = arith.constant 0 : i32
    %cond3A_1 = arith.cmpi ne, %convert_element_type3A, %cond3A : i32
    scf.if %cond3A_1 {
      %broadcast_in_dim3A_33 = arith.constant 0.000000e+00 : f32
      %broadcast_in_dim3A_34 = vector.broadcast %broadcast_in_dim3A_33 : f32 to vector<2x128xf32>
      %swap3A_35 = arith.constant 0 : index
      %swap3A_36 = arith.constant 0 : index
      %swap3A_37 = vector.load %arg5[%swap3A_35, %swap3A_36] : memref<2x128xf32, #tpu.memory_space<vmem>>, vector<2x128xf32>
      tpu.vector_store %arg5[%swap3A_35, %swap3A_36], %broadcast_in_dim3A_34 {strides = array<i32>} : memref<2x128xf32, #tpu.memory_space<vmem>>, vector<2x128xf32>,
    } else {
    }
    %get3A = arith.constant 0 : index
    %get3A_2 = arith.constant 0 : index
    %get3A_3 = vector.load %arg1[%get3A, %get3A_2] : memref<6400x128xf32, #tpu.memory_space<vmem>>, vector<6400x128xf32>
    %get3A_4 = arith.constant 0 : index
    %get3A_5 = arith.constant 0 : index
    %get3A_6 = vector.load %arg2[%get3A_4, %get3A_5] : memref<6400x32xf32, #tpu.memory_space<vmem>>, vector<6400x32xf32>
    %get3A_7 = arith.constant 0 : index
    %get3A_8 = arith.constant 0 : index
    %get3A_9 = vector.load %arg3[%get3A_7, %get3A_8] : memref<32x128xf32, #tpu.memory_space<vmem>>, vector<32x128xf32>
    %dot_general3A = arith.constant dense<0.000000e+00> : vector<6400x128xf32>
    %dot_general3A_10 = tpu.matmul %get3A_6, %get3A_9, %dot_general3A {dimension_numbers = #tpu.dot_dimension_numbers<[1], [0], [0], [1], [0, 0, 1, 1], [], []>, transpose_lhs_hint = false} : vector<6400x32xf32>, vector<32x128xf32>, vector<6400x128xf32> -> vector<6400x128xf32>
    %add3A = arith.addf %get3A_3, %dot_general3A_10 : vector<6400x128xf32>
    %get3A_11 = arith.constant 0 : index
    %get3A_12 = arith.constant 0 : index
    %get3A_13 = vector.load %arg4[%get3A_11, %get3A_12] : memref<1x128xf32, #tpu.memory_space<vmem>>, vector<1x128xf32>
    %add3A_14 = vector.broadcast %get3A_13 : vector<1x128xf32> to vector<6400x128xf32>
    %add3A_15 = arith.addf %add3A, %add3A_14 : vector<6400x128xf32>
    %get3A_16 = arith.constant 0 : index
    %get3A_17 = arith.constant 0 : index
    %get3A_18 = vector.load %arg5[%get3A_16, %get3A_17] : memref<2x128xf32, #tpu.memory_space<vmem>>, vector<1x128xf32>
    %reduce_sum3A = arith.constant dense<0.000000e+00> : vector<128xf32>
    %reduce_sum3A_19 = vector.multi_reduction <add>, %add3A_15, %reduce_sum3A [0] : vector<6400x128xf32> to vector<128xf32>
    %broadcast_in_dim3A = vector.shape_cast %reduce_sum3A_19 : vector<128xf32> to vector<1x128xf32>
    %add3A_20 = arith.addf %get3A_18, %broadcast_in_dim3A : vector<1x128xf32>
    %swap3A = arith.constant 0 : index
    %swap3A_21 = arith.constant 0 : index
    %swap3A_22 = vector.load %arg5[%swap3A, %swap3A_21] : memref<2x128xf32, #tpu.memory_space<vmem>>, vector<1x128xf32>
    tpu.vector_store %arg5[%swap3A, %swap3A_21], %add3A_20 {strides = array<i32>} : memref<2x128xf32, #tpu.memory_space<vmem>>, vector<1x128xf32>,
    %get3A_23 = arith.constant 1 : index
    %get3A_24 = arith.constant 0 : index
    %get3A_25 = vector.load %arg5[%get3A_23, %get3A_24] : memref<2x128xf32, #tpu.memory_space<vmem>>, vector<1x128xf32>
    %mul3A = arith.mulf %add3A_15, %add3A_15 : vector<6400x128xf32>
    %reduce_sum3A_26 = arith.constant dense<0.000000e+00> : vector<128xf32>
    %reduce_sum3A_27 = vector.multi_reduction <add>, %mul3A, %reduce_sum3A_26 [0] : vector<6400x128xf32> to vector<128xf32>
    %broadcast_in_dim3A_28 = vector.shape_cast %reduce_sum3A_27 : vector<128xf32> to vector<1x128xf32>
    %add3A_29 = arith.addf %get3A_25, %broadcast_in_dim3A_28 : vector<1x128xf32>
    %swap3A_30 = arith.constant 1 : index
    %swap3A_31 = arith.constant 0 : index
    %swap3A_32 = vector.load %arg5[%swap3A_30, %swap3A_31] : memref<2x128xf32, #tpu.memory_space<vmem>>, vector<1x128xf32>
    tpu.vector_store %arg5[%swap3A_30, %swap3A_31], %add3A_29 {strides = array<i32>} : memref<2x128xf32, #tpu.memory_space<vmem>>, vector<1x128xf32>,
    return
  }
  func.func @transform_0(%arg0: i32) -> (i32, i32) {
    %c0_i32 = arith.constant 0 : i32
    %c0_i32_0 = arith.constant 0 : i32
    return %arg0, %c0_i32 : i32, i32
  }
  func.func @transform_1(%arg0: i32) -> (i32, i32) {
    %c0_i32 = arith.constant 0 : i32
    %c0_i32_0 = arith.constant 0 : i32
    return %arg0, %c0_i32 : i32, i32
  }
  func.func @transform_2(%arg0: i32) -> (i32, i32) {
    %c0_i32 = arith.constant 0 : i32
    %c0_i32_0 = arith.constant 0 : i32
    %c0_i32_1 = arith.constant 0 : i32
    return %c0_i32, %c0_i32_0 : i32, i32
  }
  func.func @transform_3(%arg0: i32) -> (i32, i32) {
    %c0_i32 = arith.constant 0 : i32
    %c0_i32_0 = arith.constant 0 : i32
    %c0_i32_1 = arith.constant 0 : i32
    return %c0_i32, %c0_i32_0 : i32, i32
  }
  func.func @transform_4(%arg0: i32) -> (i32, i32) {
    %c0_i32 = arith.constant 0 : i32
    %c0_i32_0 = arith.constant 0 : i32
    %c0_i32_1 = arith.constant 0 : i32
    return %c0_i32, %c0_i32_0 : i32, i32
  }
}

module attributes {stable_mosaic.version = 14 : i64} {
  func.func @_e2_body(%arg0: i32, %arg1: memref<6400x128xf32, #tpu.memory_space<vmem>>, %arg2: memref<6400x32xf32, #tpu.memory_space<vmem>>, %arg3: memref<32x128xf32, #tpu.memory_space<vmem>>, %arg4: memref<1x128xf32, #tpu.memory_space<vmem>>, %arg5: memref<1x128xf32, #tpu.memory_space<vmem>>, %arg6: memref<1x128xf32, #tpu.memory_space<vmem>>, %arg7: memref<128x256xf32, #tpu.memory_space<vmem>>, %arg8: memref<1x256xf32, #tpu.memory_space<vmem>>, %arg9: memref<2x256xf32, #tpu.memory_space<vmem>>) attributes {dimension_semantics = [#tpu.dimension_semantics<arbitrary>], iteration_bounds = array<i64: 125>, scalar_prefetch = 0 : i64, scratch_operands = 0 : i64, tpu.core_type = #tpu.core_type<tc>, window_params = [{transform_indices = @transform_0, window_bounds = array<i64: 6400, 128>}, {transform_indices = @transform_1, window_bounds = array<i64: 6400, 32>}, {pipeline_mode = #tpu.pipeline_mode<synchronous>, transform_indices = @transform_2, window_bounds = array<i64: 32, 128>}, {pipeline_mode = #tpu.pipeline_mode<synchronous>, transform_indices = @transform_3, window_bounds = array<i64: 1, 128>}, {pipeline_mode = #tpu.pipeline_mode<synchronous>, transform_indices = @transform_4, window_bounds = array<i64: 1, 128>}, {pipeline_mode = #tpu.pipeline_mode<synchronous>, transform_indices = @transform_5, window_bounds = array<i64: 1, 128>}, {pipeline_mode = #tpu.pipeline_mode<synchronous>, transform_indices = @transform_6, window_bounds = array<i64: 128, 256>}, {pipeline_mode = #tpu.pipeline_mode<synchronous>, transform_indices = @transform_7, window_bounds = array<i64: 1, 256>}, {pipeline_mode = #tpu.pipeline_mode<synchronous>, transform_indices = @transform_8, window_bounds = array<i64: 2, 256>}]} {
    %eq3A = arith.constant 0 : i32
    %eq3A_0 = arith.cmpi eq, %arg0, %eq3A : i32
    %convert_element_type3A = arith.extui %eq3A_0 : i1 to i32
    %cond3A = arith.constant 0 : i32
    %cond3A_1 = arith.cmpi ne, %convert_element_type3A, %cond3A : i32
    scf.if %cond3A_1 {
      %broadcast_in_dim3A_59 = arith.constant 0.000000e+00 : f32
      %broadcast_in_dim3A_60 = vector.broadcast %broadcast_in_dim3A_59 : f32 to vector<2x256xf32>
      %swap3A_61 = arith.constant 0 : index
      %swap3A_62 = arith.constant 0 : index
      %swap3A_63 = vector.load %arg9[%swap3A_61, %swap3A_62] : memref<2x256xf32, #tpu.memory_space<vmem>>, vector<2x256xf32>
      tpu.vector_store %arg9[%swap3A_61, %swap3A_62], %broadcast_in_dim3A_60 {strides = array<i32>} : memref<2x256xf32, #tpu.memory_space<vmem>>, vector<2x256xf32>,
    } else {
    }
    %get3A = arith.constant 0 : index
    %get3A_2 = arith.constant 0 : index
    %get3A_3 = vector.load %arg1[%get3A, %get3A_2] : memref<6400x128xf32, #tpu.memory_space<vmem>>, vector<6400x128xf32>
    %get3A_4 = arith.constant 0 : index
    %get3A_5 = arith.constant 0 : index
    %get3A_6 = vector.load %arg2[%get3A_4, %get3A_5] : memref<6400x32xf32, #tpu.memory_space<vmem>>, vector<6400x32xf32>
    %get3A_7 = arith.constant 0 : index
    %get3A_8 = arith.constant 0 : index
    %get3A_9 = vector.load %arg3[%get3A_7, %get3A_8] : memref<32x128xf32, #tpu.memory_space<vmem>>, vector<32x128xf32>
    %dot_general3A = arith.constant dense<0.000000e+00> : vector<6400x128xf32>
    %dot_general3A_10 = tpu.matmul %get3A_6, %get3A_9, %dot_general3A {dimension_numbers = #tpu.dot_dimension_numbers<[1], [0], [0], [1], [0, 0, 1, 1], [], []>, transpose_lhs_hint = false} : vector<6400x32xf32>, vector<32x128xf32>, vector<6400x128xf32> -> vector<6400x128xf32>
    %add3A = arith.addf %get3A_3, %dot_general3A_10 : vector<6400x128xf32>
    %get3A_11 = arith.constant 0 : index
    %get3A_12 = arith.constant 0 : index
    %get3A_13 = vector.load %arg4[%get3A_11, %get3A_12] : memref<1x128xf32, #tpu.memory_space<vmem>>, vector<1x128xf32>
    %add3A_14 = vector.broadcast %get3A_13 : vector<1x128xf32> to vector<6400x128xf32>
    %add3A_15 = arith.addf %add3A, %add3A_14 : vector<6400x128xf32>
    %get3A_16 = arith.constant 0 : index
    %get3A_17 = arith.constant 0 : index
    %get3A_18 = vector.load %arg5[%get3A_16, %get3A_17] : memref<1x128xf32, #tpu.memory_space<vmem>>, vector<1x128xf32>
    %mul3A = vector.broadcast %get3A_18 : vector<1x128xf32> to vector<6400x128xf32>
    %mul3A_19 = arith.mulf %add3A_15, %mul3A : vector<6400x128xf32>
    %get3A_20 = arith.constant 0 : index
    %get3A_21 = arith.constant 0 : index
    %get3A_22 = vector.load %arg6[%get3A_20, %get3A_21] : memref<1x128xf32, #tpu.memory_space<vmem>>, vector<1x128xf32>
    %add3A_23 = vector.broadcast %get3A_22 : vector<1x128xf32> to vector<6400x128xf32>
    %add3A_24 = arith.addf %mul3A_19, %add3A_23 : vector<6400x128xf32>
    %logistic3A = arith.negf %add3A_24 : vector<6400x128xf32>
    %logistic3A_25 = math.exp %logistic3A : vector<6400x128xf32>
    %logistic3A_26 = arith.constant 1.000000e+00 : f32
    %logistic3A_27 = vector.broadcast %logistic3A_26 : f32 to vector<6400x128xf32>
    %logistic3A_28 = arith.addf %logistic3A_27, %logistic3A_25 : vector<6400x128xf32>
    %logistic3A_29 = arith.divf %logistic3A_27, %logistic3A_28 : vector<6400x128xf32>
    %mul3A_30 = arith.mulf %add3A_24, %logistic3A_29 : vector<6400x128xf32>
    %get3A_31 = arith.constant 0 : index
    %get3A_32 = arith.constant 0 : index
    %get3A_33 = vector.load %arg7[%get3A_31, %get3A_32] : memref<128x256xf32, #tpu.memory_space<vmem>>, vector<128x256xf32>
    %dot_general3A_34 = arith.constant dense<0.000000e+00> : vector<6400x256xf32>
    %dot_general3A_35 = tpu.matmul %mul3A_30, %get3A_33, %dot_general3A_34 {dimension_numbers = #tpu.dot_dimension_numbers<[1], [0], [0], [1], [0, 0, 1, 1], [], []>, transpose_lhs_hint = false} : vector<6400x128xf32>, vector<128x256xf32>, vector<6400x256xf32> -> vector<6400x256xf32>
    %get3A_36 = arith.constant 0 : index
    %get3A_37 = arith.constant 0 : index
    %get3A_38 = vector.load %arg8[%get3A_36, %get3A_37] : memref<1x256xf32, #tpu.memory_space<vmem>>, vector<1x256xf32>
    %add3A_39 = vector.broadcast %get3A_38 : vector<1x256xf32> to vector<6400x256xf32>
    %add3A_40 = arith.addf %dot_general3A_35, %add3A_39 : vector<6400x256xf32>
    %get3A_41 = arith.constant 0 : index
    %get3A_42 = arith.constant 0 : index
    %get3A_43 = vector.load %arg9[%get3A_41, %get3A_42] : memref<2x256xf32, #tpu.memory_space<vmem>>, vector<1x256xf32>
    %reduce_sum3A = arith.constant dense<0.000000e+00> : vector<256xf32>
    %reduce_sum3A_44 = vector.multi_reduction <add>, %add3A_40, %reduce_sum3A [0] : vector<6400x256xf32> to vector<256xf32>
    %broadcast_in_dim3A = vector.shape_cast %reduce_sum3A_44 : vector<256xf32> to vector<1x256xf32>
    %add3A_45 = arith.addf %get3A_43, %broadcast_in_dim3A : vector<1x256xf32>
    %swap3A = arith.constant 0 : index
    %swap3A_46 = arith.constant 0 : index
    %swap3A_47 = vector.load %arg9[%swap3A, %swap3A_46] : memref<2x256xf32, #tpu.memory_space<vmem>>, vector<1x256xf32>
    tpu.vector_store %arg9[%swap3A, %swap3A_46], %add3A_45 {strides = array<i32>} : memref<2x256xf32, #tpu.memory_space<vmem>>, vector<1x256xf32>,
    %get3A_48 = arith.constant 1 : index
    %get3A_49 = arith.constant 0 : index
    %get3A_50 = vector.load %arg9[%get3A_48, %get3A_49] : memref<2x256xf32, #tpu.memory_space<vmem>>, vector<1x256xf32>
    %mul3A_51 = arith.mulf %add3A_40, %add3A_40 : vector<6400x256xf32>
    %reduce_sum3A_52 = arith.constant dense<0.000000e+00> : vector<256xf32>
    %reduce_sum3A_53 = vector.multi_reduction <add>, %mul3A_51, %reduce_sum3A_52 [0] : vector<6400x256xf32> to vector<256xf32>
    %broadcast_in_dim3A_54 = vector.shape_cast %reduce_sum3A_53 : vector<256xf32> to vector<1x256xf32>
    %add3A_55 = arith.addf %get3A_50, %broadcast_in_dim3A_54 : vector<1x256xf32>
    %swap3A_56 = arith.constant 1 : index
    %swap3A_57 = arith.constant 0 : index
    %swap3A_58 = vector.load %arg9[%swap3A_56, %swap3A_57] : memref<2x256xf32, #tpu.memory_space<vmem>>, vector<1x256xf32>
    tpu.vector_store %arg9[%swap3A_56, %swap3A_57], %add3A_55 {strides = array<i32>} : memref<2x256xf32, #tpu.memory_space<vmem>>, vector<1x256xf32>,
    return
  }
  func.func @transform_0(%arg0: i32) -> (i32, i32) {
    %c0_i32 = arith.constant 0 : i32
    %c0_i32_0 = arith.constant 0 : i32
    return %arg0, %c0_i32 : i32, i32
  }
  func.func @transform_1(%arg0: i32) -> (i32, i32) {
    %c0_i32 = arith.constant 0 : i32
    %c0_i32_0 = arith.constant 0 : i32
    return %arg0, %c0_i32 : i32, i32
  }
  func.func @transform_2(%arg0: i32) -> (i32, i32) {
    %c0_i32 = arith.constant 0 : i32
    %c0_i32_0 = arith.constant 0 : i32
    %c0_i32_1 = arith.constant 0 : i32
    return %c0_i32, %c0_i32_0 : i32, i32
  }
  func.func @transform_3(%arg0: i32) -> (i32, i32) {
    %c0_i32 = arith.constant 0 : i32
    %c0_i32_0 = arith.constant 0 : i32
    %c0_i32_1 = arith.constant 0 : i32
    return %c0_i32, %c0_i32_0 : i32, i32
  }
  func.func @transform_4(%arg0: i32) -> (i32, i32) {
    %c0_i32 = arith.constant 0 : i32
    %c0_i32_0 = arith.constant 0 : i32
    %c0_i32_1 = arith.constant 0 : i32
    return %c0_i32, %c0_i32_0 : i32, i32
  }
  func.func @transform_5(%arg0: i32) -> (i32, i32) {
    %c0_i32 = arith.constant 0 : i32
    %c0_i32_0 = arith.constant 0 : i32
    %c0_i32_1 = arith.constant 0 : i32
    return %c0_i32, %c0_i32_0 : i32, i32
  }
  func.func @transform_6(%arg0: i32) -> (i32, i32) {
    %c0_i32 = arith.constant 0 : i32
    %c0_i32_0 = arith.constant 0 : i32
    %c0_i32_1 = arith.constant 0 : i32
    return %c0_i32, %c0_i32_0 : i32, i32
  }
  func.func @transform_7(%arg0: i32) -> (i32, i32) {
    %c0_i32 = arith.constant 0 : i32
    %c0_i32_0 = arith.constant 0 : i32
    %c0_i32_1 = arith.constant 0 : i32
    return %c0_i32, %c0_i32_0 : i32, i32
  }
  func.func @transform_8(%arg0: i32) -> (i32, i32) {
    %c0_i32 = arith.constant 0 : i32
    %c0_i32_0 = arith.constant 0 : i32
    %c0_i32_1 = arith.constant 0 : i32
    return %c0_i32, %c0_i32_0 : i32, i32
  }
}

module attributes {stable_mosaic.version = 14 : i64} {
  func.func @_e3_body(%arg0: i32, %arg1: memref<6400x128xf32, #tpu.memory_space<vmem>>, %arg2: memref<6400x32xf32, #tpu.memory_space<vmem>>, %arg3: memref<32x128xf32, #tpu.memory_space<vmem>>, %arg4: memref<1x128xf32, #tpu.memory_space<vmem>>, %arg5: memref<1x128xf32, #tpu.memory_space<vmem>>, %arg6: memref<1x128xf32, #tpu.memory_space<vmem>>, %arg7: memref<128x256xf32, #tpu.memory_space<vmem>>, %arg8: memref<1x256xf32, #tpu.memory_space<vmem>>, %arg9: memref<1x256xf32, #tpu.memory_space<vmem>>, %arg10: memref<1x256xf32, #tpu.memory_space<vmem>>, %arg11: memref<400x128xf32, #tpu.memory_space<vmem>>) attributes {dimension_semantics = [#tpu.dimension_semantics<arbitrary>], iteration_bounds = array<i64: 125>, scalar_prefetch = 0 : i64, scratch_operands = 0 : i64, tpu.core_type = #tpu.core_type<tc>, window_params = [{transform_indices = @transform_0, window_bounds = array<i64: 6400, 128>}, {transform_indices = @transform_1, window_bounds = array<i64: 6400, 32>}, {pipeline_mode = #tpu.pipeline_mode<synchronous>, transform_indices = @transform_2, window_bounds = array<i64: 32, 128>}, {pipeline_mode = #tpu.pipeline_mode<synchronous>, transform_indices = @transform_3, window_bounds = array<i64: 1, 128>}, {pipeline_mode = #tpu.pipeline_mode<synchronous>, transform_indices = @transform_4, window_bounds = array<i64: 1, 128>}, {pipeline_mode = #tpu.pipeline_mode<synchronous>, transform_indices = @transform_5, window_bounds = array<i64: 1, 128>}, {pipeline_mode = #tpu.pipeline_mode<synchronous>, transform_indices = @transform_6, window_bounds = array<i64: 128, 256>}, {pipeline_mode = #tpu.pipeline_mode<synchronous>, transform_indices = @transform_7, window_bounds = array<i64: 1, 256>}, {pipeline_mode = #tpu.pipeline_mode<synchronous>, transform_indices = @transform_8, window_bounds = array<i64: 1, 256>}, {pipeline_mode = #tpu.pipeline_mode<synchronous>, transform_indices = @transform_9, window_bounds = array<i64: 1, 256>}, {transform_indices = @transform_10, window_bounds = array<i64: 400, 128>}]} {
    %get3A = arith.constant 0 : index
    %get3A_0 = arith.constant 0 : index
    %get3A_1 = vector.load %arg1[%get3A, %get3A_0] : memref<6400x128xf32, #tpu.memory_space<vmem>>, vector<6400x128xf32>
    %get3A_2 = arith.constant 0 : index
    %get3A_3 = arith.constant 0 : index
    %get3A_4 = vector.load %arg2[%get3A_2, %get3A_3] : memref<6400x32xf32, #tpu.memory_space<vmem>>, vector<6400x32xf32>
    %get3A_5 = arith.constant 0 : index
    %get3A_6 = arith.constant 0 : index
    %get3A_7 = vector.load %arg3[%get3A_5, %get3A_6] : memref<32x128xf32, #tpu.memory_space<vmem>>, vector<32x128xf32>
    %dot_general3A = arith.constant dense<0.000000e+00> : vector<6400x128xf32>
    %dot_general3A_8 = tpu.matmul %get3A_4, %get3A_7, %dot_general3A {dimension_numbers = #tpu.dot_dimension_numbers<[1], [0], [0], [1], [0, 0, 1, 1], [], []>, transpose_lhs_hint = false} : vector<6400x32xf32>, vector<32x128xf32>, vector<6400x128xf32> -> vector<6400x128xf32>
    %add3A = arith.addf %get3A_1, %dot_general3A_8 : vector<6400x128xf32>
    %get3A_9 = arith.constant 0 : index
    %get3A_10 = arith.constant 0 : index
    %get3A_11 = vector.load %arg4[%get3A_9, %get3A_10] : memref<1x128xf32, #tpu.memory_space<vmem>>, vector<1x128xf32>
    %add3A_12 = vector.broadcast %get3A_11 : vector<1x128xf32> to vector<6400x128xf32>
    %add3A_13 = arith.addf %add3A, %add3A_12 : vector<6400x128xf32>
    %get3A_14 = arith.constant 0 : index
    %get3A_15 = arith.constant 0 : index
    %get3A_16 = vector.load %arg5[%get3A_14, %get3A_15] : memref<1x128xf32, #tpu.memory_space<vmem>>, vector<1x128xf32>
    %mul3A = vector.broadcast %get3A_16 : vector<1x128xf32> to vector<6400x128xf32>
    %mul3A_17 = arith.mulf %add3A_13, %mul3A : vector<6400x128xf32>
    %get3A_18 = arith.constant 0 : index
    %get3A_19 = arith.constant 0 : index
    %get3A_20 = vector.load %arg6[%get3A_18, %get3A_19] : memref<1x128xf32, #tpu.memory_space<vmem>>, vector<1x128xf32>
    %add3A_21 = vector.broadcast %get3A_20 : vector<1x128xf32> to vector<6400x128xf32>
    %add3A_22 = arith.addf %mul3A_17, %add3A_21 : vector<6400x128xf32>
    %logistic3A = arith.negf %add3A_22 : vector<6400x128xf32>
    %logistic3A_23 = math.exp %logistic3A : vector<6400x128xf32>
    %logistic3A_24 = arith.constant 1.000000e+00 : f32
    %logistic3A_25 = vector.broadcast %logistic3A_24 : f32 to vector<6400x128xf32>
    %logistic3A_26 = arith.addf %logistic3A_25, %logistic3A_23 : vector<6400x128xf32>
    %logistic3A_27 = arith.divf %logistic3A_25, %logistic3A_26 : vector<6400x128xf32>
    %mul3A_28 = arith.mulf %add3A_22, %logistic3A_27 : vector<6400x128xf32>
    %get3A_29 = arith.constant 0 : index
    %get3A_30 = arith.constant 0 : index
    %get3A_31 = vector.load %arg7[%get3A_29, %get3A_30] : memref<128x256xf32, #tpu.memory_space<vmem>>, vector<128x256xf32>
    %dot_general3A_32 = arith.constant dense<0.000000e+00> : vector<6400x256xf32>
    %dot_general3A_33 = tpu.matmul %mul3A_28, %get3A_31, %dot_general3A_32 {dimension_numbers = #tpu.dot_dimension_numbers<[1], [0], [0], [1], [0, 0, 1, 1], [], []>, transpose_lhs_hint = false} : vector<6400x128xf32>, vector<128x256xf32>, vector<6400x256xf32> -> vector<6400x256xf32>
    %get3A_34 = arith.constant 0 : index
    %get3A_35 = arith.constant 0 : index
    %get3A_36 = vector.load %arg8[%get3A_34, %get3A_35] : memref<1x256xf32, #tpu.memory_space<vmem>>, vector<1x256xf32>
    %add3A_37 = vector.broadcast %get3A_36 : vector<1x256xf32> to vector<6400x256xf32>
    %add3A_38 = arith.addf %dot_general3A_33, %add3A_37 : vector<6400x256xf32>
    %get3A_39 = arith.constant 0 : index
    %get3A_40 = arith.constant 0 : index
    %get3A_41 = vector.load %arg9[%get3A_39, %get3A_40] : memref<1x256xf32, #tpu.memory_space<vmem>>, vector<1x256xf32>
    %mul3A_42 = vector.broadcast %get3A_41 : vector<1x256xf32> to vector<6400x256xf32>
    %mul3A_43 = arith.mulf %add3A_38, %mul3A_42 : vector<6400x256xf32>
    %get3A_44 = arith.constant 0 : index
    %get3A_45 = arith.constant 0 : index
    %get3A_46 = vector.load %arg10[%get3A_44, %get3A_45] : memref<1x256xf32, #tpu.memory_space<vmem>>, vector<1x256xf32>
    %add3A_47 = vector.broadcast %get3A_46 : vector<1x256xf32> to vector<6400x256xf32>
    %add3A_48 = arith.addf %mul3A_43, %add3A_47 : vector<6400x256xf32>
    %slice3A = vector.extract_strided_slice %add3A_48 {offsets = [0, 0], sizes = [6400, 128], strides = [1, 1]} : vector<6400x256xf32> to vector<6400x128xf32>
    %slice3A_49 = vector.extract_strided_slice %add3A_48 {offsets = [0, 128], sizes = [6400, 128], strides = [1, 1]} : vector<6400x256xf32> to vector<6400x128xf32>
    %logistic3A_50 = arith.negf %slice3A : vector<6400x128xf32>
    %logistic3A_51 = math.exp %logistic3A_50 : vector<6400x128xf32>
    %logistic3A_52 = arith.constant 1.000000e+00 : f32
    %logistic3A_53 = vector.broadcast %logistic3A_52 : f32 to vector<6400x128xf32>
    %logistic3A_54 = arith.addf %logistic3A_53, %logistic3A_51 : vector<6400x128xf32>
    %logistic3A_55 = arith.divf %logistic3A_53, %logistic3A_54 : vector<6400x128xf32>
    %custom_jvp_call3A = arith.constant 0.000000e+00 : f32
    %max3A = vector.broadcast %custom_jvp_call3A : f32 to vector<6400x128xf32>
    %max3A_56 = arith.maximumf %slice3A_49, %max3A : vector<6400x128xf32>
    %sub3A = vector.broadcast %custom_jvp_call3A : f32 to vector<6400x128xf32>
    %sub3A_57 = arith.subf %slice3A_49, %sub3A : vector<6400x128xf32>
    %ne3A = arith.cmpf one, %sub3A_57, %sub3A_57 : vector<6400x128xf32>
    %add3A_58 = vector.broadcast %custom_jvp_call3A : f32 to vector<6400x128xf32>
    %add3A_59 = arith.addf %slice3A_49, %add3A_58 : vector<6400x128xf32>
    %abs3A = math.absf %sub3A_57 : vector<6400x128xf32>
    %neg3A = arith.constant 0.000000e+00 : f32
    %neg3A_60 = vector.broadcast %neg3A : f32 to vector<6400x128xf32>
    %neg3A_61 = arith.subf %neg3A_60, %abs3A : vector<6400x128xf32>
    %exp3A = math.exp %neg3A_61 : vector<6400x128xf32>
    %log1p3A = math.log1p %exp3A : vector<6400x128xf32>
    %add3A_62 = arith.addf %max3A_56, %log1p3A : vector<6400x128xf32>
    %select_n3A = arith.select %ne3A, %add3A_59, %add3A_62 : vector<6400x128xi1>, vector<6400x128xf32>
    %mul3A_63 = arith.mulf %logistic3A_55, %select_n3A : vector<6400x128xf32>
    %reshape3A = vector.shape_cast %mul3A_63 : vector<6400x128xf32> to vector<400x16x128xf32>
    %reduce_sum3A = arith.constant dense<0.000000e+00> : vector<400x128xf32>
    %reduce_sum3A_64 = vector.multi_reduction <add>, %reshape3A, %reduce_sum3A [1] : vector<400x16x128xf32> to vector<400x128xf32>
    %swap3A = arith.constant 0 : index
    %swap3A_65 = arith.constant 0 : index
    %swap3A_66 = vector.load %arg11[%swap3A, %swap3A_65] : memref<400x128xf32, #tpu.memory_space<vmem>>, vector<400x128xf32>
    tpu.vector_store %arg11[%swap3A, %swap3A_65], %reduce_sum3A_64 {strides = array<i32>} : memref<400x128xf32, #tpu.memory_space<vmem>>, vector<400x128xf32>,
    return
  }
  func.func @transform_0(%arg0: i32) -> (i32, i32) {
    %c0_i32 = arith.constant 0 : i32
    %c0_i32_0 = arith.constant 0 : i32
    return %arg0, %c0_i32 : i32, i32
  }
  func.func @transform_1(%arg0: i32) -> (i32, i32) {
    %c0_i32 = arith.constant 0 : i32
    %c0_i32_0 = arith.constant 0 : i32
    return %arg0, %c0_i32 : i32, i32
  }
  func.func @transform_2(%arg0: i32) -> (i32, i32) {
    %c0_i32 = arith.constant 0 : i32
    %c0_i32_0 = arith.constant 0 : i32
    %c0_i32_1 = arith.constant 0 : i32
    return %c0_i32, %c0_i32_0 : i32, i32
  }
  func.func @transform_3(%arg0: i32) -> (i32, i32) {
    %c0_i32 = arith.constant 0 : i32
    %c0_i32_0 = arith.constant 0 : i32
    %c0_i32_1 = arith.constant 0 : i32
    return %c0_i32, %c0_i32_0 : i32, i32
  }
  func.func @transform_4(%arg0: i32) -> (i32, i32) {
    %c0_i32 = arith.constant 0 : i32
    %c0_i32_0 = arith.constant 0 : i32
    %c0_i32_1 = arith.constant 0 : i32
    return %c0_i32, %c0_i32_0 : i32, i32
  }
  func.func @transform_5(%arg0: i32) -> (i32, i32) {
    %c0_i32 = arith.constant 0 : i32
    %c0_i32_0 = arith.constant 0 : i32
    %c0_i32_1 = arith.constant 0 : i32
    return %c0_i32, %c0_i32_0 : i32, i32
  }
  func.func @transform_6(%arg0: i32) -> (i32, i32) {
    %c0_i32 = arith.constant 0 : i32
    %c0_i32_0 = arith.constant 0 : i32
    %c0_i32_1 = arith.constant 0 : i32
    return %c0_i32, %c0_i32_0 : i32, i32
  }
  func.func @transform_7(%arg0: i32) -> (i32, i32) {
    %c0_i32 = arith.constant 0 : i32
    %c0_i32_0 = arith.constant 0 : i32
    %c0_i32_1 = arith.constant 0 : i32
    return %c0_i32, %c0_i32_0 : i32, i32
  }
  func.func @transform_8(%arg0: i32) -> (i32, i32) {
    %c0_i32 = arith.constant 0 : i32
    %c0_i32_0 = arith.constant 0 : i32
    %c0_i32_1 = arith.constant 0 : i32
    return %c0_i32, %c0_i32_0 : i32, i32
  }
  func.func @transform_9(%arg0: i32) -> (i32, i32) {
    %c0_i32 = arith.constant 0 : i32
    %c0_i32_0 = arith.constant 0 : i32
    %c0_i32_1 = arith.constant 0 : i32
    return %c0_i32, %c0_i32_0 : i32, i32
  }
  func.func @transform_10(%arg0: i32) -> (i32, i32) {
    %c0_i32 = arith.constant 0 : i32
    %c0_i32_0 = arith.constant 0 : i32
    return %arg0, %c0_i32 : i32, i32
  }
}

module attributes {stable_mosaic.version = 14 : i64} {
  func.func @_f1_body(%arg0: i32, %arg1: memref<2000x128xf32, #tpu.memory_space<vmem>>, %arg2: memref<2000x128xf32, #tpu.memory_space<vmem>>, %arg3: memref<1x128xf32, #tpu.memory_space<vmem>>, %arg4: memref<1x128xf32, #tpu.memory_space<vmem>>, %arg5: memref<256x128xf32, #tpu.memory_space<vmem>>, %arg6: memref<1x128xf32, #tpu.memory_space<vmem>>, %arg7: memref<2000x128xf32, #tpu.memory_space<vmem>>, %arg8: memref<2x128xf32, #tpu.memory_space<vmem>>) attributes {dimension_semantics = [#tpu.dimension_semantics<arbitrary>], iteration_bounds = array<i64: 25>, scalar_prefetch = 0 : i64, scratch_operands = 0 : i64, tpu.core_type = #tpu.core_type<tc>, window_params = [{transform_indices = @transform_0, window_bounds = array<i64: 2000, 128>}, {transform_indices = @transform_1, window_bounds = array<i64: 2000, 128>}, {pipeline_mode = #tpu.pipeline_mode<synchronous>, transform_indices = @transform_2, window_bounds = array<i64: 1, 128>}, {pipeline_mode = #tpu.pipeline_mode<synchronous>, transform_indices = @transform_3, window_bounds = array<i64: 1, 128>}, {pipeline_mode = #tpu.pipeline_mode<synchronous>, transform_indices = @transform_4, window_bounds = array<i64: 256, 128>}, {pipeline_mode = #tpu.pipeline_mode<synchronous>, transform_indices = @transform_5, window_bounds = array<i64: 1, 128>}, {transform_indices = @transform_6, window_bounds = array<i64: 2000, 128>}, {pipeline_mode = #tpu.pipeline_mode<synchronous>, transform_indices = @transform_7, window_bounds = array<i64: 2, 128>}]} {
    %get3A = arith.constant 0 : index
    %get3A_0 = arith.constant 0 : index
    %get3A_1 = vector.load %arg2[%get3A, %get3A_0] : memref<2000x128xf32, #tpu.memory_space<vmem>>, vector<2000x128xf32>
    %get3A_2 = arith.constant 0 : index
    %get3A_3 = arith.constant 0 : index
    %get3A_4 = vector.load %arg3[%get3A_2, %get3A_3] : memref<1x128xf32, #tpu.memory_space<vmem>>, vector<1x128xf32>
    %mul3A = vector.broadcast %get3A_4 : vector<1x128xf32> to vector<2000x128xf32>
    %mul3A_5 = arith.mulf %get3A_1, %mul3A : vector<2000x128xf32>
    %get3A_6 = arith.constant 0 : index
    %get3A_7 = arith.constant 0 : index
    %get3A_8 = vector.load %arg4[%get3A_6, %get3A_7] : memref<1x128xf32, #tpu.memory_space<vmem>>, vector<1x128xf32>
    %add3A = vector.broadcast %get3A_8 : vector<1x128xf32> to vector<2000x128xf32>
    %add3A_9 = arith.addf %mul3A_5, %add3A : vector<2000x128xf32>
    %get3A_10 = arith.constant 0 : index
    %get3A_11 = arith.constant 0 : index
    %get3A_12 = vector.load %arg1[%get3A_10, %get3A_11] : memref<2000x128xf32, #tpu.memory_space<vmem>>, vector<2000x128xf32>
    %concatenate3A = tpu.concatenate %get3A_12, %add3A_9 in 1 : vector<2000x128xf32>, vector<2000x128xf32> -> vector<2000x256xf32>
    %get3A_13 = arith.constant 0 : index
    %get3A_14 = arith.constant 0 : index
    %get3A_15 = vector.load %arg5[%get3A_13, %get3A_14] : memref<256x128xf32, #tpu.memory_space<vmem>>, vector<256x128xf32>
    %dot_general3A = arith.constant dense<0.000000e+00> : vector<2000x128xf32>
    %dot_general3A_16 = tpu.matmul %concatenate3A, %get3A_15, %dot_general3A {dimension_numbers = #tpu.dot_dimension_numbers<[1], [0], [0], [1], [0, 0, 1, 1], [], []>, transpose_lhs_hint = false} : vector<2000x256xf32>, vector<256x128xf32>, vector<2000x128xf32> -> vector<2000x128xf32>
    %get3A_17 = arith.constant 0 : index
    %get3A_18 = arith.constant 0 : index
    %get3A_19 = vector.load %arg6[%get3A_17, %get3A_18] : memref<1x128xf32, #tpu.memory_space<vmem>>, vector<1x128xf32>
    %add3A_20 = vector.broadcast %get3A_19 : vector<1x128xf32> to vector<2000x128xf32>
    %add3A_21 = arith.addf %dot_general3A_16, %add3A_20 : vector<2000x128xf32>
    %swap3A = arith.constant 0 : index
    %swap3A_22 = arith.constant 0 : index
    %swap3A_23 = vector.load %arg7[%swap3A, %swap3A_22] : memref<2000x128xf32, #tpu.memory_space<vmem>>, vector<2000x128xf32>
    tpu.vector_store %arg7[%swap3A, %swap3A_22], %add3A_21 {strides = array<i32>} : memref<2000x128xf32, #tpu.memory_space<vmem>>, vector<2000x128xf32>,
    %eq3A = arith.constant 0 : i32
    %eq3A_24 = arith.cmpi eq, %arg0, %eq3A : i32
    %convert_element_type3A = arith.extui %eq3A_24 : i1 to i32
    %cond3A = arith.constant 0 : i32
    %cond3A_25 = arith.cmpi ne, %convert_element_type3A, %cond3A : i32
    scf.if %cond3A_25 {
      %broadcast_in_dim3A_45 = arith.constant 0.000000e+00 : f32
      %broadcast_in_dim3A_46 = vector.broadcast %broadcast_in_dim3A_45 : f32 to vector<2x128xf32>
      %swap3A_47 = arith.constant 0 : index
      %swap3A_48 = arith.constant 0 : index
      %swap3A_49 = vector.load %arg8[%swap3A_47, %swap3A_48] : memref<2x128xf32, #tpu.memory_space<vmem>>, vector<2x128xf32>
      tpu.vector_store %arg8[%swap3A_47, %swap3A_48], %broadcast_in_dim3A_46 {strides = array<i32>} : memref<2x128xf32, #tpu.memory_space<vmem>>, vector<2x128xf32>,
    } else {
    }
    %get3A_26 = arith.constant 0 : index
    %get3A_27 = arith.constant 0 : index
    %get3A_28 = vector.load %arg8[%get3A_26, %get3A_27] : memref<2x128xf32, #tpu.memory_space<vmem>>, vector<1x128xf32>
    %reduce_sum3A = arith.constant dense<0.000000e+00> : vector<128xf32>
    %reduce_sum3A_29 = vector.multi_reduction <add>, %add3A_21, %reduce_sum3A [0] : vector<2000x128xf32> to vector<128xf32>
    %broadcast_in_dim3A = vector.shape_cast %reduce_sum3A_29 : vector<128xf32> to vector<1x128xf32>
    %add3A_30 = arith.addf %get3A_28, %broadcast_in_dim3A : vector<1x128xf32>
    %swap3A_31 = arith.constant 0 : index
    %swap3A_32 = arith.constant 0 : index
    %swap3A_33 = vector.load %arg8[%swap3A_31, %swap3A_32] : memref<2x128xf32, #tpu.memory_space<vmem>>, vector<1x128xf32>
    tpu.vector_store %arg8[%swap3A_31, %swap3A_32], %add3A_30 {strides = array<i32>} : memref<2x128xf32, #tpu.memory_space<vmem>>, vector<1x128xf32>,
    %get3A_34 = arith.constant 1 : index
    %get3A_35 = arith.constant 0 : index
    %get3A_36 = vector.load %arg8[%get3A_34, %get3A_35] : memref<2x128xf32, #tpu.memory_space<vmem>>, vector<1x128xf32>
    %mul3A_37 = arith.mulf %add3A_21, %add3A_21 : vector<2000x128xf32>
    %reduce_sum3A_38 = arith.constant dense<0.000000e+00> : vector<128xf32>
    %reduce_sum3A_39 = vector.multi_reduction <add>, %mul3A_37, %reduce_sum3A_38 [0] : vector<2000x128xf32> to vector<128xf32>
    %broadcast_in_dim3A_40 = vector.shape_cast %reduce_sum3A_39 : vector<128xf32> to vector<1x128xf32>
    %add3A_41 = arith.addf %get3A_36, %broadcast_in_dim3A_40 : vector<1x128xf32>
    %swap3A_42 = arith.constant 1 : index
    %swap3A_43 = arith.constant 0 : index
    %swap3A_44 = vector.load %arg8[%swap3A_42, %swap3A_43] : memref<2x128xf32, #tpu.memory_space<vmem>>, vector<1x128xf32>
    tpu.vector_store %arg8[%swap3A_42, %swap3A_43], %add3A_41 {strides = array<i32>} : memref<2x128xf32, #tpu.memory_space<vmem>>, vector<1x128xf32>,
    return
  }
  func.func @transform_0(%arg0: i32) -> (i32, i32) {
    %c0_i32 = arith.constant 0 : i32
    %c0_i32_0 = arith.constant 0 : i32
    return %arg0, %c0_i32 : i32, i32
  }
  func.func @transform_1(%arg0: i32) -> (i32, i32) {
    %c0_i32 = arith.constant 0 : i32
    %c0_i32_0 = arith.constant 0 : i32
    return %arg0, %c0_i32 : i32, i32
  }
  func.func @transform_2(%arg0: i32) -> (i32, i32) {
    %c0_i32 = arith.constant 0 : i32
    %c0_i32_0 = arith.constant 0 : i32
    %c0_i32_1 = arith.constant 0 : i32
    return %c0_i32, %c0_i32_0 : i32, i32
  }
  func.func @transform_3(%arg0: i32) -> (i32, i32) {
    %c0_i32 = arith.constant 0 : i32
    %c0_i32_0 = arith.constant 0 : i32
    %c0_i32_1 = arith.constant 0 : i32
    return %c0_i32, %c0_i32_0 : i32, i32
  }
  func.func @transform_4(%arg0: i32) -> (i32, i32) {
    %c0_i32 = arith.constant 0 : i32
    %c0_i32_0 = arith.constant 0 : i32
    %c0_i32_1 = arith.constant 0 : i32
    return %c0_i32, %c0_i32_0 : i32, i32
  }
  func.func @transform_5(%arg0: i32) -> (i32, i32) {
    %c0_i32 = arith.constant 0 : i32
    %c0_i32_0 = arith.constant 0 : i32
    %c0_i32_1 = arith.constant 0 : i32
    return %c0_i32, %c0_i32_0 : i32, i32
  }
  func.func @transform_6(%arg0: i32) -> (i32, i32) {
    %c0_i32 = arith.constant 0 : i32
    %c0_i32_0 = arith.constant 0 : i32
    return %arg0, %c0_i32 : i32, i32
  }
  func.func @transform_7(%arg0: i32) -> (i32, i32) {
    %c0_i32 = arith.constant 0 : i32
    %c0_i32_0 = arith.constant 0 : i32
    %c0_i32_1 = arith.constant 0 : i32
    return %c0_i32, %c0_i32_0 : i32, i32
  }
}

module attributes {stable_mosaic.version = 14 : i64} {
  func.func @_bn_apply_body(%arg0: i32, %arg1: memref<2000x128xf32, #tpu.memory_space<vmem>>, %arg2: memref<1x128xf32, #tpu.memory_space<vmem>>, %arg3: memref<1x128xf32, #tpu.memory_space<vmem>>, %arg4: memref<2000x128xf32, #tpu.memory_space<vmem>>) attributes {dimension_semantics = [#tpu.dimension_semantics<arbitrary>], iteration_bounds = array<i64: 25>, scalar_prefetch = 0 : i64, scratch_operands = 0 : i64, tpu.core_type = #tpu.core_type<tc>, window_params = [{transform_indices = @transform_0, window_bounds = array<i64: 2000, 128>}, {pipeline_mode = #tpu.pipeline_mode<synchronous>, transform_indices = @transform_1, window_bounds = array<i64: 1, 128>}, {pipeline_mode = #tpu.pipeline_mode<synchronous>, transform_indices = @transform_2, window_bounds = array<i64: 1, 128>}, {transform_indices = @transform_3, window_bounds = array<i64: 2000, 128>}]} {
    %get3A = arith.constant 0 : index
    %get3A_0 = arith.constant 0 : index
    %get3A_1 = vector.load %arg1[%get3A, %get3A_0] : memref<2000x128xf32, #tpu.memory_space<vmem>>, vector<2000x128xf32>
    %get3A_2 = arith.constant 0 : index
    %get3A_3 = arith.constant 0 : index
    %get3A_4 = vector.load %arg2[%get3A_2, %get3A_3] : memref<1x128xf32, #tpu.memory_space<vmem>>, vector<1x128xf32>
    %mul3A = vector.broadcast %get3A_4 : vector<1x128xf32> to vector<2000x128xf32>
    %mul3A_5 = arith.mulf %get3A_1, %mul3A : vector<2000x128xf32>
    %get3A_6 = arith.constant 0 : index
    %get3A_7 = arith.constant 0 : index
    %get3A_8 = vector.load %arg3[%get3A_6, %get3A_7] : memref<1x128xf32, #tpu.memory_space<vmem>>, vector<1x128xf32>
    %add3A = vector.broadcast %get3A_8 : vector<1x128xf32> to vector<2000x128xf32>
    %add3A_9 = arith.addf %mul3A_5, %add3A : vector<2000x128xf32>
    %swap3A = arith.constant 0 : index
    %swap3A_10 = arith.constant 0 : index
    %swap3A_11 = vector.load %arg4[%swap3A, %swap3A_10] : memref<2000x128xf32, #tpu.memory_space<vmem>>, vector<2000x128xf32>
    tpu.vector_store %arg4[%swap3A, %swap3A_10], %add3A_9 {strides = array<i32>} : memref<2000x128xf32, #tpu.memory_space<vmem>>, vector<2000x128xf32>,
    return
  }
  func.func @transform_0(%arg0: i32) -> (i32, i32) {
    %c0_i32 = arith.constant 0 : i32
    %c0_i32_0 = arith.constant 0 : i32
    return %arg0, %c0_i32 : i32, i32
  }
  func.func @transform_1(%arg0: i32) -> (i32, i32) {
    %c0_i32 = arith.constant 0 : i32
    %c0_i32_0 = arith.constant 0 : i32
    %c0_i32_1 = arith.constant 0 : i32
    return %c0_i32, %c0_i32_0 : i32, i32
  }
  func.func @transform_2(%arg0: i32) -> (i32, i32) {
    %c0_i32 = arith.constant 0 : i32
    %c0_i32_0 = arith.constant 0 : i32
    %c0_i32_1 = arith.constant 0 : i32
    return %c0_i32, %c0_i32_0 : i32, i32
  }
  func.func @transform_3(%arg0: i32) -> (i32, i32) {
    %c0_i32 = arith.constant 0 : i32
    %c0_i32_0 = arith.constant 0 : i32
    return %arg0, %c0_i32 : i32, i32
  }
}

</mosaic_0001>

<sc_bundles>
// kernel: kernel.16.cloned.1.call-start
scs
__scs_entry_jumppad:
0x0: {  	(pc) =	sbr.rel $0x88, $3  }
0x1: {  	(tag) =	ssettag $0x0;
	lr =	simm.s32 $0x1  }
0x2: {  	[smem:$0x3F7C] =	sst lr;
	_ =	strace $0xD0000000  }
0x3: {  	_ = 	snop  }
0x4: {  	_ = 	snop  }
0x5: {  	_ = 	snop  }
0x6: {  	_ = 	snop  }
0x7: {  	_ = 	snop  }
__scs_overlays_trampoline_lowered:
0x8: {  	[smem:$0x3F8B] =	sst s0  }
0x9: {  	[smem:$0x3F8C] =	sst s1  }
0xa: {  	[smem:$0x3F8D] =	sst s2  }
0xb: {  	[smem:$0x3F8E] =	sst s3  }
0xc: {  	[smem:$0x3F8F] =	sst s4  }
0xd: {  	[smem:$0x3F90] =	sst s5  }
0xe: {  	[smem:$0x3F91] =	sst s6  }
0xf: {  	[smem:$0x3F92] =	sst s7  }
0x10: {  	[smem:$0x3F93] =	sst s8  }
0x11: {  	[smem:$0x3F94] =	sst s9;
	s0 =	simm.s32 @!p0 $0x0  }
0x12: {  	s1 =	sld [smem:$0x3F7A];
	s0 =	simm.s32 @p0 $0x1  }
0x13: {  	[smem:$0x3F95] =	sst s0;
	s0 =	simm.s32 @!p1 $0x0  }
0x14: {  	s2 =	sld [smem:$0x3F79];
	s0 =	simm.s32 @p1 $0x1  }
0x15: {  	[smem:$0x3F96] =	sst s0;
	s0 =	simm.s32 @!p2 $0x0  }
0x16: {  	s3 =	sld [smem:$0x3FDB];
	s0 =	simm.s32 @p2 $0x1  }
0x17: {  	s4 =	simm.s32 $0x1BF5;
	[smem:$0x3F98] =	sst s0  }
0x18: {  	s0 =	sld [smem:$0x3F7B];
	_ =	swait.ge [sflag:s4], $0x0  }
0x19: {  	s7 =	sld [smem:$0x3F7C]  }
0x1a: {  	s8 =	sadd.s32 $0xFFFFE003, lr  }
0x1b: {  	s9 =	sadd.s32 $0xFFFFFEF7, lr;
	s5 =	simm.s32 $0xFFFFFFFF;
	p2 =	slt.u32 s8, $0xFFFFF086  }
0x1c: {  	p1 =	slt.u32 s9, $0xF7A;
	s5 =	simm.s32 @!p2 $0x0  }
0x1d: {  	s5 =	simm.s32 @p1 $0x1;
	p0 =	seq.s32 s7, s2  }
0x1e: {  	s7 =	smul.u32 @!p0 $0xF7A, s2;
	p2 =	seq.s32 @!p0 s5, $0x0  }
0x1f: {  	s9 =	smul.u32 $0xF7A, s1;
	s8 =	simm.s32 @!p0 $0x1BF5;
	p2 =	por !p2, p0  }
0x20: {  	[sflag:s8] =	ssyncset.s32 @!p0 $0xFFFFF086;
	s6 =	sadd.s32 @!p0 s3, s7;
	s7 =	simm.s32 @!p0 $0x108  }
0x21: {  	s3 =	sadd.s32 s3, s9;
	s6 =	sadd.s32 @!p0 $0x88, s6;
	s7 =	simm.s32 @p2 $0x1082  }
0x22: {  	[simem:s7], [sflag:s8] =	dma.local @!p0 [hbm:s6], $0xF7A  }
0x23: {  	s9 =	sor.u32 $0xD0000000, s2;
	s6 =	simm.s32 $0x108;
	_ =	swait.ge @!p0 [sflag:s8], $0x0  }
0x24: {  	s3 =	sadd.s32 $0x88, s3;
	s6 =	simm.s32 @!p1 $0x1082;
	[sflag:s4] =	ssyncset.s32 $0xFFFFF086  }
0x25: {  	[simem:s6], [sflag:s4] =	dma.local [hbm:s3], $0xF7A  }
0x26: {  	[smem:$0x3F7C] =	sst s1;
	(tag) =	ssettag s2;
	_ =	strace s9  }
0x27: {  	s1 =	sld [smem:$0x3F8C]  }
0x28: {  	s2 =	sld [smem:$0x3F8D]  }
0x29: {  	s4 =	sld [smem:$0x3F8F]  }
0x2a: {  	p0 =	seq.s32 s5, $0x0;
	s5 =	sld [smem:$0x3F90]  }
0x2b: {  	s6 =	sld [smem:$0x3F91]  }
0x2c: {  	s7 =	sld [smem:$0x3F92]  }
0x2d: {  	s3 =	simm.s32 $0x108;
	s8 =	sld [smem:$0x3F93]  }
0x2e: {  	s3 =	simm.s32 @!p0 $0x1082;
	s9 =	sld [smem:$0x3F94]  }
0x2f: {  	lr =	sadd.s32 s0, s3;
	s0 =	sld [smem:$0x3F8B]  }
0x30: {  	s3 =	sld [smem:$0x3F8E]  }
0x31: {  	[smem:$0x3F97] =	sst s10  }
0x32: {  	s10 =	sld [smem:$0x3F95];
	_ =	sdelay $0x3  }
0x33: {  	p0 =	seq.s32 s10, $0x1;
	s10 =	sld [smem:$0x3F97];
	_ =	sdelay $0x3  }
0x34: {  	[smem:$0x3F97] =	sst s10  }
0x35: {  	s10 =	sld [smem:$0x3F96];
	_ =	sdelay $0x3  }
0x36: {  	p1 =	seq.s32 s10, $0x1;
	s10 =	sld [smem:$0x3F97];
	_ =	sdelay $0x3  }
0x37: {  	[smem:$0x3F97] =	sst s10  }
0x38: {  	s10 =	sld [smem:$0x3F98]  }
0x39: {  	_ = 	snop;
	(pc) =	sbr.ind lr, $3  }
0x3a: {  	_ = 	snop  }
0x3b: {  	_ = 	snop  }
0x3c: {  	p2 =	seq.s32 s10, $0x1;
	s10 =	sld [smem:$0x3F97]  }
0x3d: {  	_ =	shalt  }
0x3e: {  	_ =	shalt  }
0x3f: {  	_ =	shalt  }
0x40: {  	_ =	shalt  }
0x41: {  	_ =	shalt  }
0x42: {  	_ =	shalt  }
0x43: {  	_ =	shalt  }
0x44: {  	_ =	shalt  }
0x45: {  	_ =	shalt  }
0x46: {  	_ =	shalt  }
0x47: {  	_ =	shalt  }
0x48: {  	_ =	shalt  }
0x49: {  	_ =	shalt  }
0x4a: {  	_ =	shalt  }
0x4b: {  	_ =	shalt  }
0x4c: {  	_ =	shalt  }
0x4d: {  	_ =	shalt  }
0x4e: {  	_ =	shalt  }
0x4f: {  	_ =	shalt  }
0x50: {  	_ =	shalt  }
0x51: {  	_ =	shalt  }
0x52: {  	_ =	shalt  }
0x53: {  	_ =	shalt  }
0x54: {  	_ =	shalt  }
0x55: {  	_ =	shalt  }
0x56: {  	_ =	shalt  }
0x57: {  	_ =	shalt  }
0x58: {  	_ =	shalt  }
0x59: {  	_ =	shalt  }
0x5a: {  	_ =	shalt  }
0x5b: {  	_ =	shalt  }
0x5c: {  	_ =	shalt  }
0x5d: {  	_ =	shalt  }
0x5e: {  	_ =	shalt  }
0x5f: {  	_ =	shalt  }
0x60: {  	_ =	shalt  }
0x61: {  	_ =	shalt  }
0x62: {  	_ =	shalt  }
0x63: {  	_ =	shalt  }
0x64: {  	_ =	shalt  }
0x65: {  	_ =	shalt  }
0x66: {  	_ =	shalt  }
0x67: {  	_ =	shalt  }
0x68: {  	_ =	shalt  }
0x69: {  	_ =	shalt  }
0x6a: {  	_ =	shalt  }
0x6b: {  	_ =	shalt  }
0x6c: {  	_ =	shalt  }
0x6d: {  	_ =	shalt  }
0x6e: {  	_ =	shalt  }
0x6f: {  	_ =	shalt  }
0x70: {  	_ =	shalt  }
0x71: {  	_ =	shalt  }
0x72: {  	_ =	shalt  }
0x73: {  	_ =	shalt  }
0x74: {  	_ =	shalt  }
0x75: {  	_ =	shalt  }
0x76: {  	_ =	shalt  }
0x77: {  	_ =	shalt  }
0x78: {  	_ =	shalt  }
0x79: {  	_ =	shalt  }
0x7a: {  	_ =	shalt  }
0x7b: {  	_ =	shalt  }
0x7c: {  	_ =	shalt  }
0x7d: {  	_ =	shalt  }
0x7e: {  	_ =	shalt  }
0x7f: {  	_ =	shalt  }
0x80: {  	_ =	shalt  }
0x81: {  	_ =	shalt  }
0x82: {  	_ =	shalt  }
0x83: {  	_ =	shalt  }
0x84: {  	_ =	shalt  }
0x85: {  	_ =	shalt  }
0x86: {  	_ =	shalt  }
0x87: {  	_ =	shalt  }
.Lfunc_end0:
.L_simem_size_0:
called_computation_lowered:
.L_overlay_start_0:
0x88: {  	s2 =	sld [smem:$0x3FD9]  }
0x89: {  	s3 =	sld [smem:$0x3FFE];
	_ =	sdelay $0x1  }
0x8a: {  	s1 =	srdreg.scid  }
0x8b: {  	s0 =	sand.u32 $0x1, s1  }
0x8c: {  	s14 =	sshll.u32 s0, $0xA;
	s2 =	sadd.s32 s3, s2  }
0x8d: {  	s2 =	sadd.s32 s2, s14  }
0x8e: {  	[smem:$0x3FA3] =	sst s2  }
0x8f: {  	_ = 	snop  }
0x90: {  	s2 =	sld [smem:$0x3FD0];
	_ =	sdelay $0x2  }
0x91: {  	s15 =	simm.s32 $0xA;
	s4 =	simm.s32 $0x10  }
0x92: {  	[smem:s4], [sflag:s15] =	dma.local [hbm:s2], $0x1  }
0x93: {  	_ =	swait.eq [sflag:s15], $0x1  }
0x94: {  	[sflag:s15] =	ssyncset.done $0x0  }
0x95: {  	[sflag:s15] =	ssyncadd.s32 $0xFFFFFFFF  }
0x96: {  	s16 =	sld [smem:$0x10];
	(tm) =	ssettm $0x1  }
0x97: {  	s17 =	sld [smem:$0x3FFB];
	_ =	sdelay $0x3  }
0x98: {  	_ =	strace s17  }
0x99: {  	s3 =	sld [smem:$0x3FFC];
	_ =	sdelay $0x3  }
0x9a: {  	_ =	strace s3  }
0x9b: {  	s3 =	sld [smem:$0x3FFD];
	_ =	sdelay $0x3  }
0x9c: {  	_ =	strace s3  }
0x9d: {  	_ =	strace $0x8FFFFFFF  }
0x9e: {  	s18 =	sld [smem:$0x3FDB];
	_ =	sdelay $0x1  }
0x9f: {  	s19 =	simm.s32 $_scs_section_size  }
0xa0: {  	s5 =	simm.s32 $_size__tile_overlayer_lowered;
	s6 =	simm.s32 $_tile_overlayer_lowered  }
0xa1: {  	s22 =	simm.s32 $0x1BFF;
	s21 =	sshll.u32 s6, $0x1;
	s3 =	sadd.s32 s19, s18  }
0xa2: {  	s7 =	simm.s32 $0x0;
	s20 =	sshll.u32 s5, $0x1;
	s5 =	sadd.s32 s21, s3  }
0xa3: {  	[timem:s7], [sflag:s22] =	dma.local [hbm:s5], s20  }
0xa4: {  	_ =	swait.ge [sflag:s22], s20  }
0xa5: {  	s4 =	ssub.s32 $0x0, s20;
	[sflag:s22] =	ssyncset.done $0x0  }
0xa6: {  	[sflag:s22] =	ssyncadd.s32 s4;
	_ =	sdelay $0x1  }
0xa7: {  	s23 =	simm.s32 $0x1B8B  }
0xa8: {  	_ =	swait.ge [sflag:s23], $0x1  }
0xa9: {  	[sflag:s23] =	ssyncset.done $0x0  }
0xaa: {  	s25 =	simm.s32 $0x1B8E;
	s24 =	sld [smem:$0x3FFE];
	[sflag:s23] =	ssyncadd.s32 $0xFFFFFFFF  }
0xab: {  	s26 =	simm.s32 $execute0_lowered;
	[smem:$0x3FD2] =	sst s25  }
0xac: {  	s5 =	sshll.u32 s26, $0x1;
	_ =	strace $0x80000046;
	[dreg:$0x1] =	wrdreg $0xFFFFFFFF  }
0xad: {  	s28 =	simm.s32 $_size_execute0_lowered;
	s3 =	sadd.s32 s3, s5;
	[dreg:$0x0] =	wrdreg $0x0  }
0xae: {  	s5 =	sshll.u32 s28, $0x1;
	[dreg:$0x2] =	wrdreg s3  }
0xaf: {  	[dreg:$0x3] =	wrdreg s5  }
0xb0: {  	[dreg:$0x4] =	wrdreg $0xC0  }
0xb1: {  	_ =	task [dreg:s7], $0x5FFFF  }
0xb2: {  	[dreg:$0x1] =	wrdreg $0xFFFFFFFF  }
0xb3: {  	[dreg:$0x0] =	wrdreg $0x60  }
0xb4: {  	[dreg:$0x2] =	wrdreg s16  }
0xb5: {  	[dreg:$0x3] =	wrdreg s24  }
0xb6: {  	[dreg:$0x4] =	wrdreg $0x9  }
0xb7: {  	_ =	task.clear_ibuf [dreg:s7], $0x5FFFF;
	_ =	strace $0x90000046  }
0xb8: {  	s29 =	simm.s32 $0x9;
	_ =	strace $0x80000048  }
0xb9: {  	_ =	swait.ge [sflag:s29], $0x1  }
0xba: {  	[sflag:s29] =	ssyncadd.s32 $0xFFFFFFFF  }
0xbb: {  	_ =	strace $0x90000048  }
0xbc: {  	_ =	sfence  }
0xbd: {  	s30 =	sld [smem:$0x0];
	_ =	sdelay $0x2  }
0xbe: {  	s31 =	sshll.u32 s1, $0xD;
	s1 =	sshrl.u32 s1, $0x2  }
0xbf: {  	s3 =	sand.u32 $0x4000, s31;
	s1 =	sadd.s32 s1, s30  }
0xc0: {  	s0 =	sor.u32 s3, s0;
	s1 =	sshll.u32 s1, $0x11  }
0xc1: {  	s0 =	sor.u32 s1, s0  }
0xc2: {  	s0 =	sadd.s32 $0x8F2B, s0  }
0xc3: {  	[sflag:s0] =	ssyncadd.remote.s32 $0x1  }
0xc4: {  	_ =	sfence.sel $0xFFFF  }
0xc5: {  	[dreg:$0x0] =	wrdreg $0xFFFFFFFF;
	(pc) =	sbr.abs _section_cstart, $3  }
0xc6: {  	[dreg:$0x1] =	wrdreg $0xFFFFFFFF  }
0xc7: {  	_ =	task.clear_ibuf [dreg:s7], $0x2FFFF;
	_ =	strace $0x9FFFFFFF  }
0xc8: {  	(tm) =	ssettm $0x7FFFFFFF  }
0xc9: {  	_ =	shalt  }
tec
execute0_lowered:
.L_overlay_start_1:
0x0: {  	(tag) =	ssettag $0x1  }
0x1: {  	s1 =	rddreg [dreg:$0x0]  }
0x2: {  	s3 =	rddreg [dreg:$0x1]  }
0x3: {  	s0 =	rddreg [dreg:$0x2];
	s2 =	simm.s32 $0x0  }
0x4: {  	s4 =	srdreg.scid;
	s11 =	simm.s32 $0x1;
	[smem:$0x7FF] =	sst s2  }
0x5: {  	s12 =	simm.s32 $0x0;
	s4 =	sand.u32 $0x1, s4;
	_ =	strace $0x80000047  }
0x6: {  	s5 =	sshll.u32 s4, $0x8;
	s6 =	ssub.s32 $0x2, s4;
	s7 =	sshll.u32 s4, $0xF  }
0x7: {  	s29 =	sshll.u32 s4, $0x4;
	s5 =	sadd.s32 s5, s3;
	s8 =	sshrl.u32 s6, $0x1  }
0x8: {  	s7 =	sadd.s32 s7, s3;
	s3 =	stileid.u32;
	s6 =	ssub.s32 s6, s8  }
0x9: {  	s9 =	sshll.u32 s3, $0x4;
	s10 =	sshll.u32 s3, $0xB;
	s31 =	sor.u32 s29, s3  }
0xa: {  	s8 =	simm.s32 $0x4;
	s4 =	smax.u32 s6, $0x1;
	s5 =	sadd.s32 s9, s5  }
0xb: {  	s30 =	sadd.s32 s10, s7;
	s7 =	sor.u32 $0x20, s31;
	s9 =	simm.s32 $0x80  }
0xc: {  	s10 =	simm.s32 $0x100;
	s5 =	sadd.s32 $0x7200, s5;
	s6 =	sadd.s32 $0x4B2A00, s30  }
.LBB2_1:
0xd: {  	s13 =	sadd.s32 $0x0, s5  }
0xe: {  	[tilespmem:s2], [sflag:$0x4] =	stream.linear.gather [hbm4b:s13+s2], $0x80, $0x38;
	[tilespmem:$0x8100] =	vst v63  }
0xf: {  	_ =	swait.ge [sflag:s8], $0x80  }
0x10: {  	p0 =	sgt.u32 s7, $0x1869;
	[sflag:s8] =	ssyncset.done $0x0  }
0x11: {  	s13 =	sadd.s32 @!p0 $0x0, s5;
	s14 =	simm.s32 @!p0 $0x80;
	[sflag:s8] =	ssyncadd.s32 $0xFFFFFF80  }
0x12: {  	[tilespmem:s10], [sflag:$0x1] =	stream.indirect.gather [hbm4b:s1+s9], $0x80, s2, s9, $0xb8;
	[tilespmem:$0x8100] =	vst v63  }
0x13: {  	s15 =	simm.s32 @!p0 $0x0;
	s16 =	simm.s32 @!p0 $0x4;
	s13 =	sadd.s32 @!p0 $0x200, s13  }
0x14: {  	[tilespmem:s14], [sflag:$0x4] =	stream.linear.gather @!p0 [hbm4b:s13+s15], $0x80, $0x38;
	[tilespmem:$0x8100] =	vst v63  }
0x15: {  	_ =	swait.ge @!p0 [sflag:s16], $0x80  }
0x16: {  	[sflag:s16] =	ssyncset.done @!p0 $0x0  }
0x17: {  	s13 =	simm.s32 @!p0 $0x4100;
	[sflag:s16] =	ssyncadd.s32 @!p0 $0xFFFFFF80  }
0x18: {  	[tilespmem:s13], [sflag:$0x2] =	stream.indirect.gather @!p0 [hbm4b:s1+s14], $0x80, s14, s14, $0xb8;
	[tilespmem:$0x8100] =	vst v63  }
0x19: {  	_ =	swait.ge [sflag:s11], $0x4000  }
0x1a: {  	[sflag:s11] =	ssyncset.done $0x0  }
0x1b: {  	[sflag:s11] =	ssyncadd.s32 $0xFFFFC000  }
0x1c: {  	[hbm4b:s6+s2] =	stream.linear.scatter [tilespmem:s10], [sflag:$0x4], $0x4000, $0x38;
	[tilespmem:$0x8100] =	vst v63  }
0x1d: {  	_ =	swait.ge [sflag:s8], $0x4000  }
0x1e: {  	[sflag:s8] =	ssyncset.done $0x0  }
0x1f: {  	s14 =	simm.s32 @!p0 $0x2;
	[sflag:s8] =	ssyncadd.s32 $0xFFFFC000  }
0x20: {  	_ =	swait.ge @!p0 [sflag:s14], $0x4000  }
0x21: {  	[sflag:s14] =	ssyncset.done @!p0 $0x0  }
0x22: {  	s16 =	sadd.s32 @!p0 $0x10000, s6;
	[sflag:s14] =	ssyncadd.s32 @!p0 $0xFFFFC000  }
0x23: {  	[hbm4b:s16+s15] =	stream.linear.scatter @!p0 [tilespmem:s13], [sflag:$0x3], $0x4000, $0x38;
	[tilespmem:$0x8100] =	vst v63  }
0x24: {  	s17 =	simm.s32 @!p0 $0x3;
	s14 =	sadd.s32 $0x40, s7;
	s16 =	simm.s32 $0x400  }
0x25: {  	s15 =	simm.s32 $0x800;
	s13 =	sadd.s32 $0x20000, s6;
	_ =	swait.ge @!p0 [sflag:s17], $0x4000  }
.LBB2_2:
0x26: {  	s18 =	sadd.s32 s16, s5  }
0x27: {  	[sflag:s17] =	ssyncset.done @!p0 $0x0;
	s19 =	smov.u32 s15;
	s15 =	sadd.s32 $0x400, s15  }
0x28: {  	p1 =	sne.s32 s15, $0x18800;
	[sflag:s17] =	ssyncadd.s32 @!p0 $0xFFFFC000  }
0x29: {  	[tilespmem:s2], [sflag:$0x4] =	stream.linear.gather [hbm4b:s18+s2], $0x80, $0x38;
	[tilespmem:$0x8100] =	vst v63  }
0x2a: {  	_ =	swait.ge [sflag:s8], $0x80  }
0x2b: {  	p0 =	sgt.u32 s14, $0x1869;
	[sflag:s8] =	ssyncset.done $0x0  }
0x2c: {  	s16 =	sadd.s32 @!p0 s16, s5;
	s17 =	simm.s32 @!p0 $0x80;
	[sflag:s8] =	ssyncadd.s32 $0xFFFFFF80  }
0x2d: {  	[tilespmem:s10], [sflag:$0x1] =	stream.indirect.gather [hbm4b:s1+s9], $0x80, s2, s9, $0xb8;
	[tilespmem:$0x8100] =	vst v63  }
0x2e: {  	s18 =	simm.s32 @!p0 $0x0;
	s20 =	simm.s32 @!p0 $0x4;
	s16 =	sadd.s32 @!p0 $0x200, s16  }
0x2f: {  	[tilespmem:s17], [sflag:$0x4] =	stream.linear.gather @!p0 [hbm4b:s16+s18], $0x80, $0x38;
	[tilespmem:$0x8100] =	vst v63  }
0x30: {  	s16 =	smov.u32 s19;
	_ =	swait.ge @!p0 [sflag:s20], $0x80  }
0x31: {  	s19 =	simm.s32 @!p0 $0x4100;
	[sflag:s20] =	ssyncset.done @!p0 $0x0  }
0x32: {  	[sflag:s20] =	ssyncadd.s32 @!p0 $0xFFFFFF80  }
0x33: {  	[tilespmem:s19], [sflag:$0x2] =	stream.indirect.gather @!p0 [hbm4b:s1+s17], $0x80, s17, s17, $0xb8;
	[tilespmem:$0x8100] =	vst v63  }
0x34: {  	_ =	swait.ge [sflag:s11], $0x4000  }
0x35: {  	[sflag:s11] =	ssyncset.done $0x0  }
0x36: {  	[sflag:s11] =	ssyncadd.s32 $0xFFFFC000  }
0x37: {  	[hbm4b:s13+s2] =	stream.linear.scatter [tilespmem:s10], [sflag:$0x4], $0x4000, $0x38;
	[tilespmem:$0x8100] =	vst v63  }
0x38: {  	_ =	swait.ge [sflag:s8], $0x4000  }
0x39: {  	s17 =	simm.s32 @!p0 $0x2;
	[sflag:s8] =	ssyncset.done $0x0  }
0x3a: {  	[sflag:s8] =	ssyncadd.s32 $0xFFFFC000  }
.Ltmp0:
0x3b: {  	_ =	swait.ge @!p0 [sflag:s17], $0x4000;
	(pc) =	sbr.rel @p1 .LBB2_2-.Ltmp0, $4  }
0x3c: {  	s20 =	sadd.s32 @!p0 $0x10000, s13;
	[sflag:s17] =	ssyncset.done @!p0 $0x0  }
0x3d: {  	[sflag:s17] =	ssyncadd.s32 @!p0 $0xFFFFC000;
	s17 =	simm.s32 @!p0 $0x3  }
0x3e: {  	[hbm4b:s20+s18] =	stream.linear.scatter @!p0 [tilespmem:s19], [sflag:$0x3], $0x4000, $0x38;
	[tilespmem:$0x8100] =	vst v63  }
0x3f: {  	s14 =	sadd.s32 $0x40, s14;
	s13 =	sadd.s32 $0x20000, s13;
	_ =	swait.ge @!p0 [sflag:s17], $0x4000  }
0x40: {  	[sflag:s17] =	ssyncset.done @!p0 $0x0  }
0x41: {  	s15 =	sadd.s32 s16, s5;
	[sflag:s17] =	ssyncadd.s32 @!p0 $0xFFFFC000  }
0x42: {  	[tilespmem:s2], [sflag:$0x4] =	stream.linear.gather [hbm4b:s15+s2], $0x80, $0x38;
	[tilespmem:$0x8100] =	vst v63  }
0x43: {  	_ =	swait.ge [sflag:s8], $0x80  }
0x44: {  	p0 =	sgt.u32 s14, $0x1869;
	[sflag:s8] =	ssyncset.done $0x0  }
0x45: {  	s14 =	sadd.s32 @!p0 s16, s5;
	s15 =	simm.s32 @!p0 $0x80;
	[sflag:s8] =	ssyncadd.s32 $0xFFFFFF80  }
0x46: {  	[tilespmem:s10], [sflag:$0x1] =	stream.indirect.gather [hbm4b:s1+s9], $0x80, s2, s9, $0xb8;
	[tilespmem:$0x8100] =	vst v63  }
0x47: {  	s16 =	simm.s32 @!p0 $0x0;
	s17 =	simm.s32 @!p0 $0x4;
	s14 =	sadd.s32 @!p0 $0x200, s14  }
0x48: {  	[tilespmem:s15], [sflag:$0x4] =	stream.linear.gather @!p0 [hbm4b:s14+s16], $0x80, $0x38;
	[tilespmem:$0x8100] =	vst v63  }
0x49: {  	_ =	swait.ge @!p0 [sflag:s17], $0x80  }
0x4a: {  	[sflag:s17] =	ssyncset.done @!p0 $0x0  }
0x4b: {  	s14 =	simm.s32 @!p0 $0x4100;
	[sflag:s17] =	ssyncadd.s32 @!p0 $0xFFFFFF80  }
0x4c: {  	[tilespmem:s14], [sflag:$0x2] =	stream.indirect.gather @!p0 [hbm4b:s1+s15], $0x80, s15, s15, $0xb8;
	[tilespmem:$0x8100] =	vst v63  }
0x4d: {  	_ =	swait.ge [sflag:s11], $0x4000  }
0x4e: {  	[sflag:s11] =	ssyncset.done $0x0  }
0x4f: {  	[sflag:s11] =	ssyncadd.s32 $0xFFFFC000  }
0x50: {  	[hbm4b:s13+s2] =	stream.linear.scatter [tilespmem:s10], [sflag:$0x4], $0x4000, $0x38;
	[tilespmem:$0x8100] =	vst v63  }
0x51: {  	_ =	swait.ge [sflag:s8], $0x4000  }
0x52: {  	[sflag:s8] =	ssyncset.done $0x0  }
0x53: {  	s15 =	simm.s32 @!p0 $0x2;
	[sflag:s8] =	ssyncadd.s32 $0xFFFFC000  }
0x54: {  	s12 =	sadd.s32 $0x1, s12;
	_ =	swait.ge @!p0 [sflag:s15], $0x4000  }
0x55: {  	p1 =	sne.s32 s12, s4;
	s13 =	sadd.s32 @!p0 $0x10000, s13;
	[sflag:s15] =	ssyncset.done @!p0 $0x0  }
.Ltmp1:
0x56: {  	[sflag:s15] =	ssyncadd.s32 @!p0 $0xFFFFC000;
	s15 =	simm.s32 @!p0 $0x3;
	(pc) =	sbr.rel @p1 .LBB2_1-.Ltmp1, $4  }
0x57: {  	[hbm4b:s13+s16] =	stream.linear.scatter @!p0 [tilespmem:s14], [sflag:$0x3], $0x4000, $0x38;
	[tilespmem:$0x8100] =	vst v63  }
0x58: {  	_ =	swait.ge @!p0 [sflag:s15], $0x4000  }
0x59: {  	[sflag:s15] =	ssyncset.done @!p0 $0x0  }
0x5a: {  	[sflag:s15] =	ssyncadd.s32 @!p0 $0xFFFFC000  }
0x5b: {  	_ =	sfence.sel $0x180000  }
0x5c: {  	[bflag:$0x0] =	sbarrier.arrive $0xFFFF  }
0x5d: {  	p0 =	sne.s32 s3, $0x0;
	_ =	strace $0x90000047  }
0x5e: {  	s0 =	sadd.s32 @!p0 $0x100000, s0;
	[bflag:$0x2] =	sbarrier.arrive $0xFFFF  }
0x5f: {  	[sflag:s0] =	ssyncadd.tile.s32 @!p0 $0x1;
	_ =	shalt  }
.Lfunc_end2:
_tile_overlayer_lowered:
.L_overlay_start_2:
0x60: {  	(tag) =	ssettag $0x2  }
0x61: {  	s0 =	rddreg [dreg:$0x0];
	s2 =	stileid.u32  }
0x62: {  	s1 =	rddreg [dreg:$0x1];
	p0 =	sne.s32 s2, $0x0  }
0x63: {  	s3 =	rddreg [dreg:$0x2];
	[bflag:$0x3] =	sbarrier.arrive $0xFFFF;
	s2 =	simm.s32 @!p0 $0x1C03  }
0x64: {  	[timem:s3], [sflag:s2] =	dma.local @!p0 [hbm:s0], s1  }
0x65: {  	s0 =	simm.s32 @!p0 $0x3  }
0x66: {  	_ =	swait.ge @!p0 [sflag:s0], s1  }
0x67: {  	s1 =	ssub.s32 @!p0 $0x0, s1;
	[sflag:s0] =	ssyncset.done @!p0 $0x0  }
0x68: {  	[sflag:s0] =	ssyncadd.s32 @!p0 s1  }
0x69: {  	[bflag:$0x3] =	sbarrier.arrive $0xFFFF  }
0x6a: {  	_ =	shalt  }

</sc_bundles>
